<compile_context>
chip_gen: v7x
topology: tpu7x:2x2x1
jax: 0.10.2.dev20260603
libtpu: 0.0.44.dev20260713+nightly
codegen_flags: <defaults>
</compile_context>

<pallas_src>
import math

import jax
import jax.numpy as jnp
from jax import lax
from jax.experimental import pallas as pl
from jax.experimental.pallas import tpu as pltpu
from jax.experimental.pallas import tpu_sc as plsc

B, NB, NA, NC = 2, 2048, 512, 512
D, H, E, TOPK, TMAX = 768, 12, 16, 2, 1000
NK = NA + NC
DH = D // H
TAU_MIN, TAU_MAX = 0.5, 2.0
W_MIN, W_MAX = 0.1, 0.2
CAP_LOW, CAP_HIGH = 0.5, 0.6
FLOOR = min(0.05, 0.15 / E)
ALPHA = min(FLOOR * E, 1.0)
BIAS_COEFF = 0.01

BLKQ = 512
NQ = NB // BLKQ
NWORKERS = 32


_PREC = lax.Precision.DEFAULT


def _dot(a, b):
    return jnp.dot(a, b, preferred_element_type=jnp.float32, precision=_PREC)


def _ctx_body(ctx_ref, wk_ref, bk_ref, wv_ref, bv_ref, t_ref, freq_ref,
              wt1_ref, bt1_ref, wt2_ref, bt2_ref, eb_ref,
              k_ref, v_ref, tg_ref, pen_ref):
    ctx = ctx_ref[0].astype(jnp.bfloat16)
    k_ref[0] = (_dot(ctx, wk_ref[...]) + bk_ref[...]).astype(jnp.bfloat16)
    v_ref[0] = (_dot(ctx, wv_ref[...]) + bv_ref[...]).astype(jnp.bfloat16)
    args = t_ref[0, pl.program_id(0)] * freq_ref[...]
    emb = jnp.concatenate([jnp.sin(args), jnp.cos(args)], axis=-1)
    h = _dot(emb.astype(jnp.bfloat16), wt1_ref[...]) + bt1_ref[...]
    h = h * jax.nn.sigmoid(h)
    tg_ref[0] = _dot(h.astype(jnp.bfloat16), wt2_ref[...]) + bt2_ref[...]
    pen_ref[...] = BIAS_COEFF * jnp.sum(eb_ref[...] ** 2, keepdims=True)


def _main_body(x_ref, k_ref, v_ref, wq_ref, bq_ref, wo_ref, bo_ref,
               lng_ref, lnb_ref, wg1_ref, tg_ref, wg2_ref,
               bg2e_ref, out_ref):
    x = x_ref[0]
    xb = x.astype(jnp.bfloat16)
    q = _dot(xb, wq_ref[...]) + bq_ref[...]
    k = k_ref[0]
    v = v_ref[0]
    scale = 1.0 / math.sqrt(DH)
    heads = []
    for h in range(H):
        qh = q[:, h * DH:(h + 1) * DH]
        kh = k[:, h * DH:(h + 1) * DH]
        vh = v[:, h * DH:(h + 1) * DH]
        s = lax.dot_general(qh.astype(jnp.bfloat16), kh,
                            (((1,), (1,)), ((), ())),
                            preferred_element_type=jnp.float32,
                            precision=_PREC) * scale
        m = jnp.max(s, axis=-1, keepdims=True)
        e = jnp.exp(s - m)
        den = jnp.sum(e, axis=-1, keepdims=True)
        heads.append(_dot(e.astype(jnp.bfloat16), vh) / den)
    attn = jnp.concatenate(heads, axis=-1)
    o = _dot(attn.astype(jnp.bfloat16), wo_ref[...]) + bo_ref[...] + x
    mu = jnp.mean(o, axis=-1, keepdims=True)
    var = jnp.mean((o - mu) ** 2, axis=-1, keepdims=True)
    ctxb = (o - mu) / jnp.sqrt(var + 1e-5) * lng_ref[...] + lnb_ref[...]
    gate_in = jnp.concatenate(
        [xb, ctxb.astype(jnp.bfloat16),
         jnp.broadcast_to(tg_ref[0].astype(jnp.bfloat16), (BLKQ, D))],
        axis=-1)
    hh = jnp.maximum(_dot(gate_in, wg1_ref[...]), 0.0)
    out_ref[0] = (_dot(hh.astype(jnp.bfloat16), wg2_ref[...])
                  + bg2e_ref[...])


def _route_body(lg_hbm, tc_hbm, disp_hbm, comb_hbm, lbuf, tbuf, dbuf, cbuf):
    wid = lax.axis_index("c") * 16 + lax.axis_index("s")
    tok_w = (B * NB) // NWORKERS
    base = wid * tok_w
    pltpu.sync_copy(lg_hbm.at[pl.ds(base, tok_w)], lbuf)
    pltpu.sync_copy(tc_hbm.at[wid], tbuf)
    tn = tbuf[...]
    tau = TAU_MIN + (TAU_MAX - TAU_MIN) * tn
    w_sh = W_MIN + (W_MAX - W_MIN) * tn
    cap = CAP_LOW + (CAP_HIGH - CAP_LOW) * tn
    lane = lax.iota(jnp.int32, 16)
    is0 = lane == 0

    def step(i, carry):
        z = lbuf[i] / tau
        m = jnp.max(z)
        e = jnp.exp(z - m)
        p = e / jnp.sum(e)
        p = (1.0 - ALPHA) * p + (ALPHA / E)
        rest = jnp.where(is0, 0.0, p)
        rest = rest / jnp.maximum(jnp.sum(rest), 1e-8)
        probs = jnp.where(is0, w_sh, (1.0 - w_sh) * rest)
        capped = jnp.minimum(probs, cap)
        headroom = jnp.maximum(cap - capped, 0.0)
        hs = jnp.maximum(jnp.sum(headroom), 1e-8)
        excess = jnp.sum(probs - capped)
        capped = capped + excess * headroom / hs
        m1 = jnp.max(capped)
        i1 = jnp.min(jnp.where(capped == m1, lane, E))
        sel1 = lane == i1
        masked = jnp.where(sel1, -1e30, capped)
        m2 = jnp.max(masked)
        i2 = jnp.min(jnp.where(masked == m2, lane, E))
        sel2 = lane == i2
        dbuf[i] = jnp.where(sel1, m1, 0.0) + jnp.where(sel2, m2, 0.0)
        craw = jnp.where(sel1 | sel2, probs, 0.0)
        cbuf[i] = craw / jnp.maximum(jnp.sum(craw), 1e-8)
        return carry

    lax.fori_loop(0, tok_w, step, 0)
    pltpu.sync_copy(dbuf, disp_hbm.at[pl.ds(base, tok_w)])
    pltpu.sync_copy(cbuf, comb_hbm.at[pl.ds(base, tok_w)])


def _routing_sc(logits2d, tcoef):
    tok_w = (B * NB) // NWORKERS
    mesh = plsc.VectorSubcoreMesh(core_axis_name="c", subcore_axis_name="s")
    fn = pl.kernel(
        _route_body,
        out_type=(jax.ShapeDtypeStruct((B * NB, E), jnp.float32),
                  jax.ShapeDtypeStruct((B * NB, E), jnp.float32)),
        mesh=mesh,
        compiler_params=pltpu.CompilerParams(needs_layout_passes=False),
        scratch_types=[
            pltpu.VMEM((tok_w, E), jnp.float32),
            pltpu.VMEM((E,), jnp.float32),
            pltpu.VMEM((tok_w, E), jnp.float32),
            pltpu.VMEM((tok_w, E), jnp.float32),
        ],
    )
    return fn(logits2d, tcoef)


def kernel(tokens_B, output_A, output_C, t, Wq, bq, Wk, bk, Wv, bv, Wo, bo,
           ln_g, ln_b, Wt1, bt1, Wt2, bt2, Wg1, bg1, Wg2, bg2, expert_bias):
    f32 = jnp.float32
    bf16 = jnp.bfloat16
    ctx_AC = jnp.concatenate([output_A, output_C], axis=1)
    t_f = t.astype(f32).reshape(1, B)
    half = D // 2
    freq = jnp.exp(-math.log(10000.0) * jnp.arange(half, dtype=f32)
                   / (half - 1)).reshape(1, half)
    row = lambda a: a.reshape(1, -1)

    whole = lambda r, c: pl.BlockSpec((r, c), lambda b: (0, 0))
    k_out, v_out, tg, pen = pl.pallas_call(
        _ctx_body,
        grid=(B,),
        in_specs=[
            pl.BlockSpec((1, NK, D), lambda b: (b, 0, 0)),
            whole(D, D), whole(1, D), whole(D, D), whole(1, D),
            pl.BlockSpec(memory_space=pltpu.SMEM),
            whole(1, half),
            whole(D, 2 * D), whole(1, 2 * D), whole(2 * D, D), whole(1, D),
            whole(1, E),
        ],
        out_specs=[
            pl.BlockSpec((1, NK, D), lambda b: (b, 0, 0)),
            pl.BlockSpec((1, NK, D), lambda b: (b, 0, 0)),
            pl.BlockSpec((1, 1, D), lambda b: (b, 0, 0)),
            pl.BlockSpec((1, 1), lambda b: (0, 0)),
        ],
        out_shape=[
            jax.ShapeDtypeStruct((B, NK, D), jnp.bfloat16),
            jax.ShapeDtypeStruct((B, NK, D), jnp.bfloat16),
            jax.ShapeDtypeStruct((B, 1, D), f32),
            jax.ShapeDtypeStruct((1, 1), f32),
        ],
    )(ctx_AC, Wk.astype(bf16), row(bk), Wv.astype(bf16), row(bv), t_f, freq,
      Wt1.astype(bf16), row(bt1), Wt2.astype(bf16), row(bt2),
      row(expert_bias))

    whole2 = lambda r, c: pl.BlockSpec((r, c), lambda b, q: (0, 0))
    logits = pl.pallas_call(
        _main_body,
        grid=(B, NQ),
        in_specs=[
            pl.BlockSpec((1, BLKQ, D), lambda b, q: (b, q, 0)),
            pl.BlockSpec((1, NK, D), lambda b, q: (b, 0, 0)),
            pl.BlockSpec((1, NK, D), lambda b, q: (b, 0, 0)),
            whole2(D, D), whole2(1, D), whole2(D, D), whole2(1, D),
            whole2(1, D), whole2(1, D),
            whole2(3 * D, D),
            pl.BlockSpec((1, 1, D), lambda b, q: (b, 0, 0)),
            whole2(D, E), whole2(1, E),
        ],
        out_specs=pl.BlockSpec((1, BLKQ, E), lambda b, q: (b, q, 0)),
        out_shape=jax.ShapeDtypeStruct((B, NB, E), f32),
    )(tokens_B, k_out, v_out, Wq.astype(bf16), row(bq), Wo.astype(bf16),
      row(bo), row(ln_g), row(ln_b), Wg1.astype(bf16), tg, Wg2.astype(bf16),
      row(bg2) + row(expert_bias))

    tn = t.astype(f32) / TMAX
    tcoef = jnp.repeat(tn, NWORKERS // B)[:, None] * jnp.ones((1, E), f32)
    disp, comb = _routing_sc(logits.reshape(B * NB, E), tcoef)
    dispatch = disp.reshape(B, NB, E)
    combine = comb.reshape(B, NB, E)
    return dispatch, combine, pen.reshape(())

# --- scband reference (transcript-rebuilt; emitter-appended) ---
"""Pipeline reference for scband-group-brouter-78288663872362 (READ-ONLY COPY).

The authoritative reference and input builder live on the scoring server;
editing this copy changes nothing except your own understanding.
"""

import jax, jax.numpy as jnp
import numpy as np
import math

B, NB, NA, NC = 2, 2048, 512, 512
D, H, E, TOPK, TMAX = 768, 12, 16, 2, 1000
TAU_MIN, TAU_MAX = 0.5, 2.0
W_MIN, W_MAX = 0.1, 0.2
CAP_LOW, CAP_HIGH = 0.5, 0.6
FLOOR = min(0.05, 0.15 / E)
BIAS_COEFF = 0.01


def setup_inputs(seed: int = 0) -> dict:
    key = jax.random.key(seed)
    ks = jax.random.split(key, 16)
    s = 0.02
    z = jnp.zeros
    return {
        'tokens_B': jax.random.normal(ks[0], (B, NB, D), jnp.float32),
        'output_A': jax.random.normal(ks[1], (B, NA, D), jnp.float32),
        'output_C': jax.random.normal(ks[2], (B, NC, D), jnp.float32),
        't': jax.random.randint(ks[3], (B,), 0, TMAX),
        'Wq': jax.random.normal(ks[4], (D, D)) * s, 'bq': z(D),
        'Wk': jax.random.normal(ks[5], (D, D)) * s, 'bk': z(D),
        'Wv': jax.random.normal(ks[6], (D, D)) * s, 'bv': z(D),
        'Wo': jax.random.normal(ks[7], (D, D)) * s, 'bo': z(D),
        'ln_g': jnp.ones(D), 'ln_b': z(D),
        'Wt1': jax.random.normal(ks[8], (D, 2 * D)) * s, 'bt1': z(2 * D),
        'Wt2': jax.random.normal(ks[9], (2 * D, D)) * s, 'bt2': z(D),
        'Wg1': jax.random.normal(ks[10], (3 * D, D)) * s, 'bg1': z(D),
        'Wg2': jax.random.normal(ks[11], (D, E)) * s, 'bg2': z(E),
        'expert_bias': z(E),
    }


def _layernorm(x, g, b):
    m = x.mean(-1, keepdims=True)
    v = ((x - m) ** 2).mean(-1, keepdims=True)
    return (x - m) / jnp.sqrt(v + 1e-5) * g + b


def _mha(q, k, v, Wq, bq, Wk, bk, Wv, bv, Wo, bo):
    Bq, Nq, _ = q.shape
    Nk = k.shape[1]
    dh = D // H
    Q = (q @ Wq + bq).reshape(Bq, Nq, H, dh).transpose(0, 2, 1, 3)
    K = (k @ Wk + bk).reshape(Bq, Nk, H, dh).transpose(0, 2, 1, 3)
    V = (v @ Wv + bv).reshape(Bq, Nk, H, dh).transpose(0, 2, 1, 3)
    a = jax.nn.softmax(jnp.einsum('bhqd,bhkd->bhqk', Q, K) / math.sqrt(dh), axis=-1)
    o = jnp.einsum('bhqk,bhkd->bhqd', a, V).transpose(0, 2, 1, 3).reshape(Bq, Nq, D)
    return o @ Wo + bo


def _t_embed(t, Wt1, bt1, Wt2, bt2):
    half = D // 2
    freq = jnp.exp(-math.log(10000.0) * jnp.arange(half) / (half - 1))
    args = t.astype(jnp.float32)[:, None] * freq[None, :]
    emb = jnp.concatenate([jnp.sin(args), jnp.cos(args)], axis=-1)
    h = emb @ Wt1 + bt1
    h = h * jax.nn.sigmoid(h)
    return h @ Wt2 + bt2


def _forward(tokens_B, output_A, output_C, t, Wq, bq, Wk, bk, Wv, bv, Wo, bo, ln_g, ln_b, Wt1, bt1, Wt2, bt2, Wg1, bg1, Wg2, bg2, expert_bias):
    Bt, N, _ = tokens_B.shape
    ctx_C = jax.lax.stop_gradient(output_C)
    ctx_AC = jnp.concatenate([output_A, ctx_C], axis=1)
    ctx_B = _mha(tokens_B, ctx_AC, ctx_AC, Wq, bq, Wk, bk, Wv, bv, Wo, bo)
    ctx_B = _layernorm(ctx_B + tokens_B, ln_g, ln_b)
    temb = _t_embed(t, Wt1, bt1, Wt2, bt2)
    temb = jnp.broadcast_to(temb[:, None, :], (Bt, N, D))
    gate_in = jnp.concatenate([tokens_B, ctx_B, temb], axis=-1)
    h = jax.nn.relu(gate_in @ Wg1 + bg1)
    logits = h @ Wg2 + bg2 + expert_bias
    tn = (t.astype(jnp.float32) / TMAX).reshape(-1, 1, 1)
    tau = TAU_MIN + (TAU_MAX - TAU_MIN) * tn
    probs = jax.nn.softmax(logits / tau, axis=-1)
    alpha = min(FLOOR * E, 1.0)
    probs = (1.0 - alpha) * probs + alpha / E
    w_sh = W_MIN + (W_MAX - W_MIN) * tn
    rest = probs[..., 1:]
    rest = rest / jnp.clip(rest.sum(-1, keepdims=True), 1e-8)
    probs = jnp.concatenate([jnp.broadcast_to(w_sh, (Bt, N, 1)), (1.0 - w_sh) * rest], axis=-1)
    cap = CAP_LOW + (CAP_HIGH - CAP_LOW) * tn
    capped = probs - jax.nn.relu(probs - cap)
    headroom = jax.nn.relu(cap - capped)
    hs = jnp.clip(headroom.sum(-1, keepdims=True), 1e-8)
    excess = (probs - capped).sum(-1, keepdims=True)
    capped = jax.lax.stop_gradient(capped + excess * headroom / hs)
    vals, idx = jax.lax.top_k(capped, TOPK)
    oh = jax.nn.one_hot(idx, E, dtype=probs.dtype)
    dispatch = (oh * vals[..., None]).sum(-2)
    sel = oh.sum(-2)
    combine_raw = probs * sel
    combine = combine_raw / jnp.clip(combine_raw.sum(-1, keepdims=True), 1e-8)
    bias_penalty = BIAS_COEFF * jnp.sum(expert_bias ** 2)
    return dispatch, combine, bias_penalty


def reference(tokens_B, output_A, output_C, t, Wq, bq, Wk, bk, Wv, bv, Wo, bo, ln_g, ln_b, Wt1, bt1, Wt2, bt2, Wg1, bg1, Wg2, bg2, expert_bias):
    return _forward(tokens_B, output_A, output_C, t, Wq, bq, Wk, bk, Wv, bv, Wo, bo, ln_g, ln_b, Wt1, bt1, Wt2, bt2, Wg1, bg1, Wg2, bg2, expert_bias)

if __name__ == "__main__":
    import jax
    _d = setup_inputs()
    print(jax.jit(kernel)(*tuple(_d.values())))

</pallas_src>

<mosaic_0001>
#map = affine_map<(d0, d1) -> (0, 0)>
module attributes {stable_mosaic.version = 14 : i64} {
  func.func @_route_body(%arg0: i32, %arg1: i32, %arg2: memref<4096x16xf32, #tpu.memory_space<hbm>>, %arg3: memref<32x16xf32, #tpu.memory_space<hbm>>, %arg4: memref<4096x16xf32, #tpu.memory_space<hbm>>, %arg5: memref<4096x16xf32, #tpu.memory_space<hbm>>, %arg6: memref<128x16xf32, #tpu.memory_space<vmem>>, %arg7: memref<16xf32, #tpu.memory_space<vmem>>, %arg8: memref<128x16xf32, #tpu.memory_space<vmem>>, %arg9: memref<128x16xf32, #tpu.memory_space<vmem>>) attributes {dimension_semantics = [#tpu.dimension_semantics<core_parallel>, #tpu.dimension_semantics<subcore_parallel>], iteration_bounds = array<i64: 2, 16>, scalar_prefetch = 0 : i64, scratch_operands = 4 : i64, tpu.core_type = #tpu.core_type<sc_vector_subcore>, window_params = [{transform_indices = #map}, {transform_indices = #map}, {transform_indices = #map}, {transform_indices = #map}]} {
    %mul3A = arith.constant 16 : i32
    %mul3A_0 = arith.muli %arg0, %mul3A : i32
    %add3A = arith.addi %mul3A_0, %arg1 : i32
    %mul3A_1 = arith.constant 128 : i32
    %mul3A_2 = arith.muli %add3A, %mul3A_1 : i32
    "tpu.region"() ({
      %run_scoped3A = tpu.sem_alloc : memref<!tpu.dma_semaphore, #tpu.memory_space<semaphore_mem>>
      %dma_start3A = arith.constant 0 : i32
      %dma_start3A_29 = tpu.memref_slice %arg2[%mul3A_2, %dma_start3A] : memref<4096x16xf32, #tpu.memory_space<hbm>> -> memref<128x16xf32, #tpu.memory_space<hbm>>
      %dma_start3A_30 = arith.constant 0 : i32
      %dma_start3A_31 = tpu.memref_slice %arg2[%mul3A_2, %dma_start3A_30] : memref<4096x16xf32, #tpu.memory_space<hbm>> -> memref<128x16xf32, #tpu.memory_space<hbm>>
      tpu.enqueue_dma source(%dma_start3A_31 : memref<128x16xf32, #tpu.memory_space<hbm>>) target(%arg6 : memref<128x16xf32, #tpu.memory_space<vmem>>) target_semaphore(%run_scoped3A : memref<!tpu.dma_semaphore, #tpu.memory_space<semaphore_mem>>)
      %dma_wait3A = arith.constant 0 : i32
      %dma_wait3A_32 = tpu.memref_slice %arg2[%mul3A_2, %dma_wait3A] : memref<4096x16xf32, #tpu.memory_space<hbm>> -> memref<128x16xf32, #tpu.memory_space<hbm>>
      %dma_wait3A_33 = arith.constant 0 : i32
      %dma_wait3A_34 = tpu.memref_slice %arg2[%mul3A_2, %dma_wait3A_33] : memref<4096x16xf32, #tpu.memory_space<hbm>> -> memref<128x16xf32, #tpu.memory_space<hbm>>
      tpu.wait_dma2 semaphore(%run_scoped3A : memref<!tpu.dma_semaphore, #tpu.memory_space<semaphore_mem>>) src(%dma_wait3A_34 : memref<128x16xf32, #tpu.memory_space<hbm>>) dst(%arg6 : memref<128x16xf32, #tpu.memory_space<vmem>>)
      tpu.yield
    }) : () -> ()
    "tpu.region"() ({
      %run_scoped3A = tpu.sem_alloc : memref<!tpu.dma_semaphore, #tpu.memory_space<semaphore_mem>>
      %dma_start3A = arith.constant 0 : i32
      %dma_start3A_29 = tpu.memref_slice %arg3[%add3A, %dma_start3A] : memref<32x16xf32, #tpu.memory_space<hbm>> -> memref<1x16xf32, #tpu.memory_space<hbm>>
      %dma_start3A_30 = tpu.memref_squeeze %dma_start3A_29 : memref<1x16xf32, #tpu.memory_space<hbm>> -> memref<16xf32, #tpu.memory_space<hbm>>
      %dma_start3A_31 = arith.constant 0 : i32
      %dma_start3A_32 = tpu.memref_slice %arg3[%add3A, %dma_start3A_31] : memref<32x16xf32, #tpu.memory_space<hbm>> -> memref<1x16xf32, #tpu.memory_space<hbm>>
      %dma_start3A_33 = tpu.memref_squeeze %dma_start3A_32 : memref<1x16xf32, #tpu.memory_space<hbm>> -> memref<16xf32, #tpu.memory_space<hbm>>
      tpu.enqueue_dma source(%dma_start3A_33 : memref<16xf32, #tpu.memory_space<hbm>>) target(%arg7 : memref<16xf32, #tpu.memory_space<vmem>>) target_semaphore(%run_scoped3A : memref<!tpu.dma_semaphore, #tpu.memory_space<semaphore_mem>>)
      %dma_wait3A = arith.constant 0 : i32
      %dma_wait3A_34 = tpu.memref_slice %arg3[%add3A, %dma_wait3A] : memref<32x16xf32, #tpu.memory_space<hbm>> -> memref<1x16xf32, #tpu.memory_space<hbm>>
      %dma_wait3A_35 = tpu.memref_squeeze %dma_wait3A_34 : memref<1x16xf32, #tpu.memory_space<hbm>> -> memref<16xf32, #tpu.memory_space<hbm>>
      %dma_wait3A_36 = arith.constant 0 : i32
      %dma_wait3A_37 = tpu.memref_slice %arg3[%add3A, %dma_wait3A_36] : memref<32x16xf32, #tpu.memory_space<hbm>> -> memref<1x16xf32, #tpu.memory_space<hbm>>
      %dma_wait3A_38 = tpu.memref_squeeze %dma_wait3A_37 : memref<1x16xf32, #tpu.memory_space<hbm>> -> memref<16xf32, #tpu.memory_space<hbm>>
      tpu.wait_dma2 semaphore(%run_scoped3A : memref<!tpu.dma_semaphore, #tpu.memory_space<semaphore_mem>>) src(%dma_wait3A_38 : memref<16xf32, #tpu.memory_space<hbm>>) dst(%arg7 : memref<16xf32, #tpu.memory_space<vmem>>)
      tpu.yield
    }) : () -> ()
    %get3A = arith.constant 0 : index
    %get3A_3 = tpu.vector_load %arg7[%get3A] {strides = array<i32>} : memref<16xf32, #tpu.memory_space<vmem>>, vector<16xf32>,
    %mul3A_4 = arith.constant 1.500000e+00 : f32
    %mul3A_5 = vector.broadcast %mul3A_4 : f32 to vector<16xf32>
    %mul3A_6 = arith.mulf %mul3A_5, %get3A_3 : vector<16xf32>
    %add3A_7 = arith.constant 5.000000e-01 : f32
    %add3A_8 = vector.broadcast %add3A_7 : f32 to vector<16xf32>
    %add3A_9 = arith.addf %add3A_8, %mul3A_6 : vector<16xf32>
    %mul3A_10 = arith.constant 1.000000e-01 : f32
    %mul3A_11 = vector.broadcast %mul3A_10 : f32 to vector<16xf32>
    %mul3A_12 = arith.mulf %mul3A_11, %get3A_3 : vector<16xf32>
    %add3A_13 = arith.constant 1.000000e-01 : f32
    %add3A_14 = vector.broadcast %add3A_13 : f32 to vector<16xf32>
    %add3A_15 = arith.addf %add3A_14, %mul3A_12 : vector<16xf32>
    %mul3A_16 = arith.constant 1.000000e-01 : f32
    %mul3A_17 = vector.broadcast %mul3A_16 : f32 to vector<16xf32>
    %mul3A_18 = arith.mulf %mul3A_17, %get3A_3 : vector<16xf32>
    %add3A_19 = arith.constant 5.000000e-01 : f32
    %add3A_20 = vector.broadcast %add3A_19 : f32 to vector<16xf32>
    %add3A_21 = arith.addf %add3A_20, %mul3A_18 : vector<16xf32>
    %iota3A = tpu.iota {dimensions = array<i32: 0>} : vector<16xi32>
    %eq3A = arith.constant 0 : i32
    %eq3A_22 = vector.broadcast %eq3A : i32 to vector<16xi32>
    %eq3A_23 = arith.cmpi eq, %iota3A, %eq3A_22 : vector<16xi32>
    %scan3A = arith.constant 0 : i32
    %scan3A_24 = arith.constant 0 : i32
    %scan3A_25 = arith.constant 128 : i32
    %scan3A_26 = arith.addi %scan3A_24, %scan3A_25 : i32
    %scan3A_27 = arith.constant 1 : i32
    scf.for %scan3A_29 = %scan3A_24 to %scan3A_26 step %scan3A_27  : i32 {
      %get3A_30 = arith.index_cast %scan3A_29 : i32 to index
      %get3A_31 = arith.constant 0 : index
      %get3A_32 = tpu.vector_load %arg6[%get3A_30, %get3A_31] {strides = array<i32>} : memref<128x16xf32, #tpu.memory_space<vmem>>, vector<16xf32>,
      %div3A = arith.divf %get3A_32, %add3A_9 : vector<16xf32>
      %reduce_max3A = arith.constant true
      %reduce_max3A_33 = vector.broadcast %reduce_max3A : i1 to vector<16xi1>
      %reduce_max3A_34 = tpu.scan <max>, %div3A masked %reduce_max3A_33 : vector<16xf32>, vector<16xi1> -> vector<16xf32>
      %reduce_max3A_35 = vector.extract %reduce_max3A_34[15] : f32 from vector<16xf32>
      %sub3A = vector.broadcast %reduce_max3A_35 : f32 to vector<16xf32>
      %sub3A_36 = arith.subf %div3A, %sub3A : vector<16xf32>
      %exp3A = math.exp %sub3A_36 : vector<16xf32>
      %reduce_sum3A = arith.constant true
      %reduce_sum3A_37 = vector.broadcast %reduce_sum3A : i1 to vector<16xi1>
      %reduce_sum3A_38 = tpu.scan <sum>, %exp3A masked %reduce_sum3A_37 : vector<16xf32>, vector<16xi1> -> vector<16xf32>
      %reduce_sum3A_39 = vector.extract %reduce_sum3A_38[15] : f32 from vector<16xf32>
      %div3A_40 = vector.broadcast %reduce_sum3A_39 : f32 to vector<16xf32>
      %div3A_41 = arith.divf %exp3A, %div3A_40 : vector<16xf32>
      %mul3A_42 = arith.constant 8.500000e-01 : f32
      %mul3A_43 = vector.broadcast %mul3A_42 : f32 to vector<16xf32>
      %mul3A_44 = arith.mulf %mul3A_43, %div3A_41 : vector<16xf32>
      %add3A_45 = arith.constant 9.375000e-03 : f32
      %add3A_46 = vector.broadcast %add3A_45 : f32 to vector<16xf32>
      %add3A_47 = arith.addf %mul3A_44, %add3A_46 : vector<16xf32>
      %jit3A = arith.constant 0.000000e+00 : f32
      %broadcast_in_dim3A = vector.broadcast %jit3A : f32 to vector<16xf32>
      %select_n3A = arith.select %eq3A_23, %broadcast_in_dim3A, %add3A_47 : vector<16xi1>, vector<16xf32>
      %reduce_sum3A_48 = arith.constant true
      %reduce_sum3A_49 = vector.broadcast %reduce_sum3A_48 : i1 to vector<16xi1>
      %reduce_sum3A_50 = tpu.scan <sum>, %select_n3A masked %reduce_sum3A_49 : vector<16xf32>, vector<16xi1> -> vector<16xf32>
      %reduce_sum3A_51 = vector.extract %reduce_sum3A_50[15] : f32 from vector<16xf32>
      %max3A = arith.constant 9.99999993E-9 : f32
      %max3A_52 = arith.maximumf %reduce_sum3A_51, %max3A : f32
      %div3A_53 = vector.broadcast %max3A_52 : f32 to vector<16xf32>
      %div3A_54 = arith.divf %select_n3A, %div3A_53 : vector<16xf32>
      %sub3A_55 = arith.constant 1.000000e+00 : f32
      %sub3A_56 = vector.broadcast %sub3A_55 : f32 to vector<16xf32>
      %sub3A_57 = arith.subf %sub3A_56, %add3A_15 : vector<16xf32>
      %mul3A_58 = arith.mulf %sub3A_57, %div3A_54 : vector<16xf32>
      %select_n3A_59 = arith.select %eq3A_23, %add3A_15, %mul3A_58 : vector<16xi1>, vector<16xf32>
      %min3A = arith.minimumf %select_n3A_59, %add3A_21 : vector<16xf32>
      %sub3A_60 = arith.subf %add3A_21, %min3A : vector<16xf32>
      %max3A_61 = arith.constant 0.000000e+00 : f32
      %max3A_62 = vector.broadcast %max3A_61 : f32 to vector<16xf32>
      %max3A_63 = arith.maximumf %sub3A_60, %max3A_62 : vector<16xf32>
      %reduce_sum3A_64 = arith.constant true
      %reduce_sum3A_65 = vector.broadcast %reduce_sum3A_64 : i1 to vector<16xi1>
      %reduce_sum3A_66 = tpu.scan <sum>, %max3A_63 masked %reduce_sum3A_65 : vector<16xf32>, vector<16xi1> -> vector<16xf32>
      %reduce_sum3A_67 = vector.extract %reduce_sum3A_66[15] : f32 from vector<16xf32>
      %max3A_68 = arith.constant 9.99999993E-9 : f32
      %max3A_69 = arith.maximumf %reduce_sum3A_67, %max3A_68 : f32
      %sub3A_70 = arith.subf %select_n3A_59, %min3A : vector<16xf32>
      %reduce_sum3A_71 = arith.constant true
      %reduce_sum3A_72 = vector.broadcast %reduce_sum3A_71 : i1 to vector<16xi1>
      %reduce_sum3A_73 = tpu.scan <sum>, %sub3A_70 masked %reduce_sum3A_72 : vector<16xf32>, vector<16xi1> -> vector<16xf32>
      %reduce_sum3A_74 = vector.extract %reduce_sum3A_73[15] : f32 from vector<16xf32>
      %mul3A_75 = vector.broadcast %reduce_sum3A_74 : f32 to vector<16xf32>
      %mul3A_76 = arith.mulf %mul3A_75, %max3A_63 : vector<16xf32>
      %div3A_77 = vector.broadcast %max3A_69 : f32 to vector<16xf32>
      %div3A_78 = arith.divf %mul3A_76, %div3A_77 : vector<16xf32>
      %add3A_79 = arith.addf %min3A, %div3A_78 : vector<16xf32>
      %reduce_max3A_80 = arith.constant true
      %reduce_max3A_81 = vector.broadcast %reduce_max3A_80 : i1 to vector<16xi1>
      %reduce_max3A_82 = tpu.scan <max>, %add3A_79 masked %reduce_max3A_81 : vector<16xf32>, vector<16xi1> -> vector<16xf32>
      %reduce_max3A_83 = vector.extract %reduce_max3A_82[15] : f32 from vector<16xf32>
      %eq3A_84 = vector.broadcast %reduce_max3A_83 : f32 to vector<16xf32>
      %eq3A_85 = arith.cmpf oeq, %add3A_79, %eq3A_84 : vector<16xf32>
      %jit3A_86 = arith.constant 16 : i32
      %broadcast_in_dim3A_87 = vector.broadcast %jit3A_86 : i32 to vector<16xi32>
      %select_n3A_88 = arith.select %eq3A_85, %iota3A, %broadcast_in_dim3A_87 : vector<16xi1>, vector<16xi32>
      %reduce_min3A = arith.constant true
      %reduce_min3A_89 = vector.broadcast %reduce_min3A : i1 to vector<16xi1>
      %reduce_min3A_90 = arith.constant -2147483648 : i32
      %reduce_min3A_91 = vector.broadcast %reduce_min3A_90 : i32 to vector<16xi32>
      %reduce_min3A_92 = arith.xori %select_n3A_88, %reduce_min3A_91 : vector<16xi32>
      %reduce_min3A_93 = tpu.scan <min>, %reduce_min3A_92 masked %reduce_min3A_89 : vector<16xi32>, vector<16xi1> -> vector<16xi32>
      %reduce_min3A_94 = arith.xori %reduce_min3A_93, %reduce_min3A_91 : vector<16xi32>
      %reduce_min3A_95 = vector.extract %reduce_min3A_94[15] : i32 from vector<16xi32>
      %eq3A_96 = vector.broadcast %reduce_min3A_95 : i32 to vector<16xi32>
      %eq3A_97 = arith.cmpi eq, %iota3A, %eq3A_96 : vector<16xi32>
      %jit3A_98 = arith.constant -1.000000e+30 : f32
      %broadcast_in_dim3A_99 = vector.broadcast %jit3A_98 : f32 to vector<16xf32>
      %select_n3A_100 = arith.select %eq3A_97, %broadcast_in_dim3A_99, %add3A_79 : vector<16xi1>, vector<16xf32>
      %reduce_max3A_101 = arith.constant true
      %reduce_max3A_102 = vector.broadcast %reduce_max3A_101 : i1 to vector<16xi1>
      %reduce_max3A_103 = tpu.scan <max>, %select_n3A_100 masked %reduce_max3A_102 : vector<16xf32>, vector<16xi1> -> vector<16xf32>
      %reduce_max3A_104 = vector.extract %reduce_max3A_103[15] : f32 from vector<16xf32>
      %eq3A_105 = vector.broadcast %reduce_max3A_104 : f32 to vector<16xf32>
      %eq3A_106 = arith.cmpf oeq, %select_n3A_100, %eq3A_105 : vector<16xf32>
      %jit3A_107 = arith.constant 16 : i32
      %broadcast_in_dim3A_108 = vector.broadcast %jit3A_107 : i32 to vector<16xi32>
      %select_n3A_109 = arith.select %eq3A_106, %iota3A, %broadcast_in_dim3A_108 : vector<16xi1>, vector<16xi32>
      %reduce_min3A_110 = arith.constant true
      %reduce_min3A_111 = vector.broadcast %reduce_min3A_110 : i1 to vector<16xi1>
      %reduce_min3A_112 = arith.constant -2147483648 : i32
      %reduce_min3A_113 = vector.broadcast %reduce_min3A_112 : i32 to vector<16xi32>
      %reduce_min3A_114 = arith.xori %select_n3A_109, %reduce_min3A_113 : vector<16xi32>
      %reduce_min3A_115 = tpu.scan <min>, %reduce_min3A_114 masked %reduce_min3A_111 : vector<16xi32>, vector<16xi1> -> vector<16xi32>
      %reduce_min3A_116 = arith.xori %reduce_min3A_115, %reduce_min3A_113 : vector<16xi32>
      %reduce_min3A_117 = vector.extract %reduce_min3A_116[15] : i32 from vector<16xi32>
      %eq3A_118 = vector.broadcast %reduce_min3A_117 : i32 to vector<16xi32>
      %eq3A_119 = arith.cmpi eq, %iota3A, %eq3A_118 : vector<16xi32>
      %jit3A_120 = arith.constant 0.000000e+00 : f32
      %broadcast_in_dim3A_121 = vector.broadcast %reduce_max3A_83 : f32 to vector<16xf32>
      %broadcast_in_dim3A_122 = vector.broadcast %jit3A_120 : f32 to vector<16xf32>
      %select_n3A_123 = arith.select %eq3A_97, %broadcast_in_dim3A_121, %broadcast_in_dim3A_122 : vector<16xi1>, vector<16xf32>
      %jit3A_124 = arith.constant 0.000000e+00 : f32
      %broadcast_in_dim3A_125 = vector.broadcast %reduce_max3A_104 : f32 to vector<16xf32>
      %broadcast_in_dim3A_126 = vector.broadcast %jit3A_124 : f32 to vector<16xf32>
      %select_n3A_127 = arith.select %eq3A_119, %broadcast_in_dim3A_125, %broadcast_in_dim3A_126 : vector<16xi1>, vector<16xf32>
      %add3A_128 = arith.addf %select_n3A_123, %select_n3A_127 : vector<16xf32>
      %swap3A = arith.index_cast %scan3A_29 : i32 to index
      %swap3A_129 = arith.constant 0 : index
      %swap3A_130 = tpu.vector_load %arg8[%swap3A, %swap3A_129] {strides = array<i32>} : memref<128x16xf32, #tpu.memory_space<vmem>>, vector<16xf32>,
      tpu.vector_store %arg8[%swap3A, %swap3A_129], %add3A_128 {strides = array<i32>} : memref<128x16xf32, #tpu.memory_space<vmem>>, vector<16xf32>,
      %or3A = arith.ori %eq3A_97, %eq3A_119 : vector<16xi1>
      %jit3A_131 = arith.constant 0.000000e+00 : f32
      %broadcast_in_dim3A_132 = vector.broadcast %jit3A_131 : f32 to vector<16xf32>
      %select_n3A_133 = arith.select %or3A, %select_n3A_59, %broadcast_in_dim3A_132 : vector<16xi1>, vector<16xf32>
      %reduce_sum3A_134 = arith.constant true
      %reduce_sum3A_135 = vector.broadcast %reduce_sum3A_134 : i1 to vector<16xi1>
      %reduce_sum3A_136 = tpu.scan <sum>, %select_n3A_133 masked %reduce_sum3A_135 : vector<16xf32>, vector<16xi1> -> vector<16xf32>
      %reduce_sum3A_137 = vector.extract %reduce_sum3A_136[15] : f32 from vector<16xf32>
      %max3A_138 = arith.constant 9.99999993E-9 : f32
      %max3A_139 = arith.maximumf %reduce_sum3A_137, %max3A_138 : f32
      %div3A_140 = vector.broadcast %max3A_139 : f32 to vector<16xf32>
      %div3A_141 = arith.divf %select_n3A_133, %div3A_140 : vector<16xf32>
      %swap3A_142 = arith.index_cast %scan3A_29 : i32 to index
      %swap3A_143 = arith.constant 0 : index
      %swap3A_144 = tpu.vector_load %arg9[%swap3A_142, %swap3A_143] {strides = array<i32>} : memref<128x16xf32, #tpu.memory_space<vmem>>, vector<16xf32>,
      tpu.vector_store %arg9[%swap3A_142, %swap3A_143], %div3A_141 {strides = array<i32>} : memref<128x16xf32, #tpu.memory_space<vmem>>, vector<16xf32>,
    }
    %scan3A_28 = arith.constant 128 : i32
    "tpu.region"() ({
      %run_scoped3A = tpu.sem_alloc : memref<!tpu.dma_semaphore, #tpu.memory_space<semaphore_mem>>
      %dma_start3A = arith.constant 0 : i32
      %dma_start3A_29 = tpu.memref_slice %arg4[%mul3A_2, %dma_start3A] : memref<4096x16xf32, #tpu.memory_space<hbm>> -> memref<128x16xf32, #tpu.memory_space<hbm>>
      %dma_start3A_30 = arith.constant 0 : i32
      %dma_start3A_31 = tpu.memref_slice %arg4[%mul3A_2, %dma_start3A_30] : memref<4096x16xf32, #tpu.memory_space<hbm>> -> memref<128x16xf32, #tpu.memory_space<hbm>>
      tpu.enqueue_dma source(%arg8 : memref<128x16xf32, #tpu.memory_space<vmem>>) target(%dma_start3A_31 : memref<128x16xf32, #tpu.memory_space<hbm>>) target_semaphore(%run_scoped3A : memref<!tpu.dma_semaphore, #tpu.memory_space<semaphore_mem>>)
      %dma_wait3A = arith.constant 0 : i32
      %dma_wait3A_32 = tpu.memref_slice %arg4[%mul3A_2, %dma_wait3A] : memref<4096x16xf32, #tpu.memory_space<hbm>> -> memref<128x16xf32, #tpu.memory_space<hbm>>
      %dma_wait3A_33 = arith.constant 0 : i32
      %dma_wait3A_34 = tpu.memref_slice %arg4[%mul3A_2, %dma_wait3A_33] : memref<4096x16xf32, #tpu.memory_space<hbm>> -> memref<128x16xf32, #tpu.memory_space<hbm>>
      tpu.wait_dma2 semaphore(%run_scoped3A : memref<!tpu.dma_semaphore, #tpu.memory_space<semaphore_mem>>) src(%arg8 : memref<128x16xf32, #tpu.memory_space<vmem>>) dst(%dma_wait3A_34 : memref<128x16xf32, #tpu.memory_space<hbm>>)
      tpu.yield
    }) : () -> ()
    "tpu.region"() ({
      %run_scoped3A = tpu.sem_alloc : memref<!tpu.dma_semaphore, #tpu.memory_space<semaphore_mem>>
      %dma_start3A = arith.constant 0 : i32
      %dma_start3A_29 = tpu.memref_slice %arg5[%mul3A_2, %dma_start3A] : memref<4096x16xf32, #tpu.memory_space<hbm>> -> memref<128x16xf32, #tpu.memory_space<hbm>>
      %dma_start3A_30 = arith.constant 0 : i32
      %dma_start3A_31 = tpu.memref_slice %arg5[%mul3A_2, %dma_start3A_30] : memref<4096x16xf32, #tpu.memory_space<hbm>> -> memref<128x16xf32, #tpu.memory_space<hbm>>
      tpu.enqueue_dma source(%arg9 : memref<128x16xf32, #tpu.memory_space<vmem>>) target(%dma_start3A_31 : memref<128x16xf32, #tpu.memory_space<hbm>>) target_semaphore(%run_scoped3A : memref<!tpu.dma_semaphore, #tpu.memory_space<semaphore_mem>>)
      %dma_wait3A = arith.constant 0 : i32
      %dma_wait3A_32 = tpu.memref_slice %arg5[%mul3A_2, %dma_wait3A] : memref<4096x16xf32, #tpu.memory_space<hbm>> -> memref<128x16xf32, #tpu.memory_space<hbm>>
      %dma_wait3A_33 = arith.constant 0 : i32
      %dma_wait3A_34 = tpu.memref_slice %arg5[%mul3A_2, %dma_wait3A_33] : memref<4096x16xf32, #tpu.memory_space<hbm>> -> memref<128x16xf32, #tpu.memory_space<hbm>>
      tpu.wait_dma2 semaphore(%run_scoped3A : memref<!tpu.dma_semaphore, #tpu.memory_space<semaphore_mem>>) src(%arg9 : memref<128x16xf32, #tpu.memory_space<vmem>>) dst(%dma_wait3A_34 : memref<128x16xf32, #tpu.memory_space<hbm>>)
      tpu.yield
    }) : () -> ()
    return
  }
}

module attributes {stable_mosaic.version = 14 : i64} {
  func.func @_ctx_body(%arg0: i32, %arg1: memref<1x1024x768xf32, #tpu.memory_space<vmem>>, %arg2: memref<768x768xbf16, #tpu.memory_space<vmem>>, %arg3: memref<1x768xf32, #tpu.memory_space<vmem>>, %arg4: memref<768x768xbf16, #tpu.memory_space<vmem>>, %arg5: memref<1x768xf32, #tpu.memory_space<vmem>>, %arg6: memref<1x2xf32, #tpu.memory_space<smem>>, %arg7: memref<1x384xf32, #tpu.memory_space<vmem>>, %arg8: memref<768x1536xbf16, #tpu.memory_space<vmem>>, %arg9: memref<1x1536xf32, #tpu.memory_space<vmem>>, %arg10: memref<1536x768xbf16, #tpu.memory_space<vmem>>, %arg11: memref<1x768xf32, #tpu.memory_space<vmem>>, %arg12: memref<1x16xf32, #tpu.memory_space<vmem>>, %arg13: memref<1x1024x768xbf16, #tpu.memory_space<vmem>>, %arg14: memref<1x1024x768xbf16, #tpu.memory_space<vmem>>, %arg15: memref<1x1x768xf32, #tpu.memory_space<vmem>>, %arg16: memref<1x1xf32, #tpu.memory_space<vmem>>) attributes {dimension_semantics = [#tpu.dimension_semantics<arbitrary>], iteration_bounds = array<i64: 2>, scalar_prefetch = 0 : i64, scratch_operands = 0 : i64, tpu.core_type = #tpu.core_type<tc>, window_params = [{transform_indices = @transform_0, window_bounds = array<i64: 1, 1024, 768>}, {pipeline_mode = #tpu.pipeline_mode<synchronous>, transform_indices = @transform_1, window_bounds = array<i64: 768, 768>}, {pipeline_mode = #tpu.pipeline_mode<synchronous>, transform_indices = @transform_2, window_bounds = array<i64: 1, 768>}, {pipeline_mode = #tpu.pipeline_mode<synchronous>, transform_indices = @transform_3, window_bounds = array<i64: 768, 768>}, {pipeline_mode = #tpu.pipeline_mode<synchronous>, transform_indices = @transform_4, window_bounds = array<i64: 1, 768>}, {transform_indices = @transform_5, window_bounds = array<i64: 1, 2>}, {pipeline_mode = #tpu.pipeline_mode<synchronous>, transform_indices = @transform_6, window_bounds = array<i64: 1, 384>}, {pipeline_mode = #tpu.pipeline_mode<synchronous>, transform_indices = @transform_7, window_bounds = array<i64: 768, 1536>}, {pipeline_mode = #tpu.pipeline_mode<synchronous>, transform_indices = @transform_8, window_bounds = array<i64: 1, 1536>}, {pipeline_mode = #tpu.pipeline_mode<synchronous>, transform_indices = @transform_9, window_bounds = array<i64: 1536, 768>}, {pipeline_mode = #tpu.pipeline_mode<synchronous>, transform_indices = @transform_10, window_bounds = array<i64: 1, 768>}, {pipeline_mode = #tpu.pipeline_mode<synchronous>, transform_indices = @transform_11, window_bounds = array<i64: 1, 16>}, {transform_indices = @transform_12, window_bounds = array<i64: 1, 1024, 768>}, {transform_indices = @transform_13, window_bounds = array<i64: 1, 1024, 768>}, {transform_indices = @transform_14, window_bounds = array<i64: 1, 1, 768>}, {pipeline_mode = #tpu.pipeline_mode<synchronous>, transform_indices = @transform_15, window_bounds = array<i64: 1, 1>}]} {
    %get3A = arith.constant 0 : index
    %get3A_0 = arith.constant 0 : index
    %get3A_1 = arith.constant 0 : index
    %get3A_2 = vector.load %arg1[%get3A, %get3A_0, %get3A_1] : memref<1x1024x768xf32, #tpu.memory_space<vmem>>, vector<1x1024x768xf32>
    %get3A_3 = vector.shape_cast %get3A_2 : vector<1x1024x768xf32> to vector<1024x768xf32>
    %convert_element_type3A = arith.truncf %get3A_3 : vector<1024x768xf32> to vector<1024x768xbf16>
    %get3A_4 = arith.constant 0 : index
    %get3A_5 = arith.constant 0 : index
    %get3A_6 = vector.load %arg2[%get3A_4, %get3A_5] : memref<768x768xbf16, #tpu.memory_space<vmem>>, vector<768x768xbf16>
    %dot_general3A = arith.constant dense<0.000000e+00> : vector<1024x768xf32>
    %dot_general3A_7 = tpu.matmul %convert_element_type3A, %get3A_6, %dot_general3A {dimension_numbers = #tpu.dot_dimension_numbers<[1], [0], [0], [1], [0, 0, 1, 1], [], []>, transpose_lhs_hint = false} : vector<1024x768xbf16>, vector<768x768xbf16>, vector<1024x768xf32> -> vector<1024x768xf32>
    %get3A_8 = arith.constant 0 : index
    %get3A_9 = arith.constant 0 : index
    %get3A_10 = vector.load %arg3[%get3A_8, %get3A_9] : memref<1x768xf32, #tpu.memory_space<vmem>>, vector<1x768xf32>
    %add3A = vector.broadcast %get3A_10 : vector<1x768xf32> to vector<1024x768xf32>
    %add3A_11 = arith.addf %dot_general3A_7, %add3A : vector<1024x768xf32>
    %convert_element_type3A_12 = arith.truncf %add3A_11 : vector<1024x768xf32> to vector<1024x768xbf16>
    %swap3A = arith.constant 0 : index
    %swap3A_13 = arith.constant 0 : index
    %swap3A_14 = arith.constant 0 : index
    %swap3A_15 = vector.load %arg13[%swap3A, %swap3A_13, %swap3A_14] : memref<1x1024x768xbf16, #tpu.memory_space<vmem>>, vector<1x1024x768xbf16>
    %swap3A_16 = vector.shape_cast %swap3A_15 : vector<1x1024x768xbf16> to vector<1024x768xbf16>
    %swap3A_17 = vector.shape_cast %convert_element_type3A_12 : vector<1024x768xbf16> to vector<1x1024x768xbf16>
    tpu.vector_store %arg13[%swap3A, %swap3A_13, %swap3A_14], %swap3A_17 {strides = array<i32>} : memref<1x1024x768xbf16, #tpu.memory_space<vmem>>, vector<1x1024x768xbf16>,
    %get3A_18 = arith.constant 0 : index
    %get3A_19 = arith.constant 0 : index
    %get3A_20 = vector.load %arg4[%get3A_18, %get3A_19] : memref<768x768xbf16, #tpu.memory_space<vmem>>, vector<768x768xbf16>
    %dot_general3A_21 = arith.constant dense<0.000000e+00> : vector<1024x768xf32>
    %dot_general3A_22 = tpu.matmul %convert_element_type3A, %get3A_20, %dot_general3A_21 {dimension_numbers = #tpu.dot_dimension_numbers<[1], [0], [0], [1], [0, 0, 1, 1], [], []>, transpose_lhs_hint = false} : vector<1024x768xbf16>, vector<768x768xbf16>, vector<1024x768xf32> -> vector<1024x768xf32>
    %get3A_23 = arith.constant 0 : index
    %get3A_24 = arith.constant 0 : index
    %get3A_25 = vector.load %arg5[%get3A_23, %get3A_24] : memref<1x768xf32, #tpu.memory_space<vmem>>, vector<1x768xf32>
    %add3A_26 = vector.broadcast %get3A_25 : vector<1x768xf32> to vector<1024x768xf32>
    %add3A_27 = arith.addf %dot_general3A_22, %add3A_26 : vector<1024x768xf32>
    %convert_element_type3A_28 = arith.truncf %add3A_27 : vector<1024x768xf32> to vector<1024x768xbf16>
    %swap3A_29 = arith.constant 0 : index
    %swap3A_30 = arith.constant 0 : index
    %swap3A_31 = arith.constant 0 : index
    %swap3A_32 = vector.load %arg14[%swap3A_29, %swap3A_30, %swap3A_31] : memref<1x1024x768xbf16, #tpu.memory_space<vmem>>, vector<1x1024x768xbf16>
    %swap3A_33 = vector.shape_cast %swap3A_32 : vector<1x1024x768xbf16> to vector<1024x768xbf16>
    %swap3A_34 = vector.shape_cast %convert_element_type3A_28 : vector<1024x768xbf16> to vector<1x1024x768xbf16>
    tpu.vector_store %arg14[%swap3A_29, %swap3A_30, %swap3A_31], %swap3A_34 {strides = array<i32>} : memref<1x1024x768xbf16, #tpu.memory_space<vmem>>, vector<1x1024x768xbf16>,
    %get3A_35 = arith.constant 0 : index
    %get3A_36 = arith.index_cast %arg0 : i32 to index
    %get3A_37 = memref.load %arg6[%get3A_35, %get3A_36] : memref<1x2xf32, #tpu.memory_space<smem>>
    %get3A_38 = arith.constant 0 : index
    %get3A_39 = arith.constant 0 : index
    %get3A_40 = vector.load %arg7[%get3A_38, %get3A_39] : memref<1x384xf32, #tpu.memory_space<vmem>>, vector<1x384xf32>
    %mul3A = vector.broadcast %get3A_37 : f32 to vector<1x384xf32>
    %mul3A_41 = arith.mulf %mul3A, %get3A_40 : vector<1x384xf32>
    %sin3A = math.sin %mul3A_41 : vector<1x384xf32>
    %cos3A = math.cos %mul3A_41 : vector<1x384xf32>
    %concatenate3A = tpu.concatenate %sin3A, %cos3A in 1 : vector<1x384xf32>, vector<1x384xf32> -> vector<1x768xf32>
    %convert_element_type3A_42 = arith.truncf %concatenate3A : vector<1x768xf32> to vector<1x768xbf16>
    %get3A_43 = arith.constant 0 : index
    %get3A_44 = arith.constant 0 : index
    %get3A_45 = vector.load %arg8[%get3A_43, %get3A_44] : memref<768x1536xbf16, #tpu.memory_space<vmem>>, vector<768x1536xbf16>
    %dot_general3A_46 = arith.constant dense<0.000000e+00> : vector<1x1536xf32>
    %dot_general3A_47 = tpu.matmul %convert_element_type3A_42, %get3A_45, %dot_general3A_46 {dimension_numbers = #tpu.dot_dimension_numbers<[1], [0], [0], [1], [0, 0, 1, 1], [], []>, transpose_lhs_hint = false} : vector<1x768xbf16>, vector<768x1536xbf16>, vector<1x1536xf32> -> vector<1x1536xf32>
    %get3A_48 = arith.constant 0 : index
    %get3A_49 = arith.constant 0 : index
    %get3A_50 = vector.load %arg9[%get3A_48, %get3A_49] : memref<1x1536xf32, #tpu.memory_space<vmem>>, vector<1x1536xf32>
    %add3A_51 = arith.addf %dot_general3A_47, %get3A_50 : vector<1x1536xf32>
    %logistic3A = arith.negf %add3A_51 : vector<1x1536xf32>
    %logistic3A_52 = math.exp %logistic3A : vector<1x1536xf32>
    %logistic3A_53 = arith.constant 1.000000e+00 : f32
    %logistic3A_54 = vector.broadcast %logistic3A_53 : f32 to vector<1x1536xf32>
    %logistic3A_55 = arith.addf %logistic3A_54, %logistic3A_52 : vector<1x1536xf32>
    %logistic3A_56 = arith.divf %logistic3A_54, %logistic3A_55 : vector<1x1536xf32>
    %mul3A_57 = arith.mulf %add3A_51, %logistic3A_56 : vector<1x1536xf32>
    %convert_element_type3A_58 = arith.truncf %mul3A_57 : vector<1x1536xf32> to vector<1x1536xbf16>
    %get3A_59 = arith.constant 0 : index
    %get3A_60 = arith.constant 0 : index
    %get3A_61 = vector.load %arg10[%get3A_59, %get3A_60] : memref<1536x768xbf16, #tpu.memory_space<vmem>>, vector<1536x768xbf16>
    %dot_general3A_62 = arith.constant dense<0.000000e+00> : vector<1x768xf32>
    %dot_general3A_63 = tpu.matmul %convert_element_type3A_58, %get3A_61, %dot_general3A_62 {dimension_numbers = #tpu.dot_dimension_numbers<[1], [0], [0], [1], [0, 0, 1, 1], [], []>, transpose_lhs_hint = false} : vector<1x1536xbf16>, vector<1536x768xbf16>, vector<1x768xf32> -> vector<1x768xf32>
    %get3A_64 = arith.constant 0 : index
    %get3A_65 = arith.constant 0 : index
    %get3A_66 = vector.load %arg11[%get3A_64, %get3A_65] : memref<1x768xf32, #tpu.memory_space<vmem>>, vector<1x768xf32>
    %add3A_67 = arith.addf %dot_general3A_63, %get3A_66 : vector<1x768xf32>
    %swap3A_68 = arith.constant 0 : index
    %swap3A_69 = arith.constant 0 : index
    %swap3A_70 = arith.constant 0 : index
    %swap3A_71 = vector.load %arg15[%swap3A_68, %swap3A_69, %swap3A_70] : memref<1x1x768xf32, #tpu.memory_space<vmem>>, vector<1x1x768xf32>
    %swap3A_72 = vector.shape_cast %swap3A_71 : vector<1x1x768xf32> to vector<1x768xf32>
    %swap3A_73 = vector.shape_cast %add3A_67 : vector<1x768xf32> to vector<1x1x768xf32>
    tpu.vector_store %arg15[%swap3A_68, %swap3A_69, %swap3A_70], %swap3A_73 {strides = array<i32>} : memref<1x1x768xf32, #tpu.memory_space<vmem>>, vector<1x1x768xf32>,
    %get3A_74 = arith.constant 0 : index
    %get3A_75 = arith.constant 0 : index
    %get3A_76 = vector.load %arg12[%get3A_74, %get3A_75] : memref<1x16xf32, #tpu.memory_space<vmem>>, vector<1x16xf32>
    %integer_pow3A = arith.mulf %get3A_76, %get3A_76 : vector<1x16xf32>
    %reduce_sum3A = vector.shape_cast %integer_pow3A : vector<1x16xf32> to vector<1x1x16xf32>
    %reduce_sum3A_77 = arith.constant dense<0.000000e+00> : vector<1xf32>
    %reduce_sum3A_78 = vector.multi_reduction <add>, %reduce_sum3A, %reduce_sum3A_77 [1, 2] : vector<1x1x16xf32> to vector<1xf32>
    %reduce_sum3A_79 = vector.shape_cast %reduce_sum3A_78 : vector<1xf32> to vector<1x1x1xf32>
    %reduce_sum3A_80 = vector.extract %reduce_sum3A_79[0, 0, 0] : f32 from vector<1x1x1xf32>
    %broadcast_in_dim3A = vector.broadcast %reduce_sum3A_80 : f32 to vector<1x1xf32>
    %mul3A_81 = arith.constant 0.00999999977 : f32
    %mul3A_82 = vector.broadcast %mul3A_81 : f32 to vector<1x1xf32>
    %mul3A_83 = arith.mulf %mul3A_82, %broadcast_in_dim3A : vector<1x1xf32>
    %swap3A_84 = arith.constant 0 : index
    %swap3A_85 = arith.constant 0 : index
    %swap3A_86 = vector.load %arg16[%swap3A_84, %swap3A_85] : memref<1x1xf32, #tpu.memory_space<vmem>>, vector<1x1xf32>
    tpu.vector_store %arg16[%swap3A_84, %swap3A_85], %mul3A_83 {strides = array<i32>} : memref<1x1xf32, #tpu.memory_space<vmem>>, vector<1x1xf32>,
    return
  }
  func.func @transform_0(%arg0: i32) -> (i32, i32, i32) {
    %c0_i32 = arith.constant 0 : i32
    %c0_i32_0 = arith.constant 0 : i32
    %c0_i32_1 = arith.constant 0 : i32
    return %arg0, %c0_i32, %c0_i32_0 : i32, i32, i32
  }
  func.func @transform_1(%arg0: i32) -> (i32, i32) {
    %c0_i32 = arith.constant 0 : i32
    %c0_i32_0 = arith.constant 0 : i32
    %c0_i32_1 = arith.constant 0 : i32
    return %c0_i32, %c0_i32_0 : i32, i32
  }
  func.func @transform_2(%arg0: i32) -> (i32, i32) {
    %c0_i32 = arith.constant 0 : i32
    %c0_i32_0 = arith.constant 0 : i32
    %c0_i32_1 = arith.constant 0 : i32
    return %c0_i32, %c0_i32_0 : i32, i32
  }
  func.func @transform_3(%arg0: i32) -> (i32, i32) {
    %c0_i32 = arith.constant 0 : i32
    %c0_i32_0 = arith.constant 0 : i32
    %c0_i32_1 = arith.constant 0 : i32
    return %c0_i32, %c0_i32_0 : i32, i32
  }
  func.func @transform_4(%arg0: i32) -> (i32, i32) {
    %c0_i32 = arith.constant 0 : i32
    %c0_i32_0 = arith.constant 0 : i32
    %c0_i32_1 = arith.constant 0 : i32
    return %c0_i32, %c0_i32_0 : i32, i32
  }
  func.func @transform_5(%arg0: i32) -> (i32, i32) {
    %c0_i32 = arith.constant 0 : i32
    %c0_i32_0 = arith.constant 0 : i32
    %c0_i32_1 = arith.constant 0 : i32
    return %c0_i32, %c0_i32_0 : i32, i32
  }
  func.func @transform_6(%arg0: i32) -> (i32, i32) {
    %c0_i32 = arith.constant 0 : i32
    %c0_i32_0 = arith.constant 0 : i32
    %c0_i32_1 = arith.constant 0 : i32
    return %c0_i32, %c0_i32_0 : i32, i32
  }
  func.func @transform_7(%arg0: i32) -> (i32, i32) {
    %c0_i32 = arith.constant 0 : i32
    %c0_i32_0 = arith.constant 0 : i32
    %c0_i32_1 = arith.constant 0 : i32
    return %c0_i32, %c0_i32_0 : i32, i32
  }
  func.func @transform_8(%arg0: i32) -> (i32, i32) {
    %c0_i32 = arith.constant 0 : i32
    %c0_i32_0 = arith.constant 0 : i32
    %c0_i32_1 = arith.constant 0 : i32
    return %c0_i32, %c0_i32_0 : i32, i32
  }
  func.func @transform_9(%arg0: i32) -> (i32, i32) {
    %c0_i32 = arith.constant 0 : i32
    %c0_i32_0 = arith.constant 0 : i32
    %c0_i32_1 = arith.constant 0 : i32
    return %c0_i32, %c0_i32_0 : i32, i32
  }
  func.func @transform_10(%arg0: i32) -> (i32, i32) {
    %c0_i32 = arith.constant 0 : i32
    %c0_i32_0 = arith.constant 0 : i32
    %c0_i32_1 = arith.constant 0 : i32
    return %c0_i32, %c0_i32_0 : i32, i32
  }
  func.func @transform_11(%arg0: i32) -> (i32, i32) {
    %c0_i32 = arith.constant 0 : i32
    %c0_i32_0 = arith.constant 0 : i32
    %c0_i32_1 = arith.constant 0 : i32
    return %c0_i32, %c0_i32_0 : i32, i32
  }
  func.func @transform_12(%arg0: i32) -> (i32, i32, i32) {
    %c0_i32 = arith.constant 0 : i32
    %c0_i32_0 = arith.constant 0 : i32
    %c0_i32_1 = arith.constant 0 : i32
    return %arg0, %c0_i32, %c0_i32_0 : i32, i32, i32
  }
  func.func @transform_13(%arg0: i32) -> (i32, i32, i32) {
    %c0_i32 = arith.constant 0 : i32
    %c0_i32_0 = arith.constant 0 : i32
    %c0_i32_1 = arith.constant 0 : i32
    return %arg0, %c0_i32, %c0_i32_0 : i32, i32, i32
  }
  func.func @transform_14(%arg0: i32) -> (i32, i32, i32) {
    %c0_i32 = arith.constant 0 : i32
    %c0_i32_0 = arith.constant 0 : i32
    %c0_i32_1 = arith.constant 0 : i32
    return %arg0, %c0_i32, %c0_i32_0 : i32, i32, i32
  }
  func.func @transform_15(%arg0: i32) -> (i32, i32) {
    %c0_i32 = arith.constant 0 : i32
    %c0_i32_0 = arith.constant 0 : i32
    %c0_i32_1 = arith.constant 0 : i32
    return %c0_i32, %c0_i32_0 : i32, i32
  }
}

module attributes {stable_mosaic.version = 14 : i64} {
  func.func @_main_body(%arg0: i32, %arg1: i32, %arg2: memref<1x512x768xf32, #tpu.memory_space<vmem>>, %arg3: memref<1x1024x768xbf16, #tpu.memory_space<vmem>>, %arg4: memref<1x1024x768xbf16, #tpu.memory_space<vmem>>, %arg5: memref<768x768xbf16, #tpu.memory_space<vmem>>, %arg6: memref<1x768xf32, #tpu.memory_space<vmem>>, %arg7: memref<768x768xbf16, #tpu.memory_space<vmem>>, %arg8: memref<1x768xf32, #tpu.memory_space<vmem>>, %arg9: memref<1x768xf32, #tpu.memory_space<vmem>>, %arg10: memref<1x768xf32, #tpu.memory_space<vmem>>, %arg11: memref<2304x768xbf16, #tpu.memory_space<vmem>>, %arg12: memref<1x1x768xf32, #tpu.memory_space<vmem>>, %arg13: memref<768x16xbf16, #tpu.memory_space<vmem>>, %arg14: memref<1x16xf32, #tpu.memory_space<vmem>>, %arg15: memref<1x512x16xf32, #tpu.memory_space<vmem>>) attributes {dimension_semantics = [#tpu.dimension_semantics<arbitrary>, #tpu.dimension_semantics<arbitrary>], iteration_bounds = array<i64: 2, 4>, scalar_prefetch = 0 : i64, scratch_operands = 0 : i64, tpu.core_type = #tpu.core_type<tc>, window_params = [{transform_indices = @transform_0, window_bounds = array<i64: 1, 512, 768>}, {transform_indices = @transform_1, window_bounds = array<i64: 1, 1024, 768>}, {transform_indices = @transform_2, window_bounds = array<i64: 1, 1024, 768>}, {pipeline_mode = #tpu.pipeline_mode<synchronous>, transform_indices = @transform_3, window_bounds = array<i64: 768, 768>}, {pipeline_mode = #tpu.pipeline_mode<synchronous>, transform_indices = @transform_4, window_bounds = array<i64: 1, 768>}, {pipeline_mode = #tpu.pipeline_mode<synchronous>, transform_indices = @transform_5, window_bounds = array<i64: 768, 768>}, {pipeline_mode = #tpu.pipeline_mode<synchronous>, transform_indices = @transform_6, window_bounds = array<i64: 1, 768>}, {pipeline_mode = #tpu.pipeline_mode<synchronous>, transform_indices = @transform_7, window_bounds = array<i64: 1, 768>}, {pipeline_mode = #tpu.pipeline_mode<synchronous>, transform_indices = @transform_8, window_bounds = array<i64: 1, 768>}, {pipeline_mode = #tpu.pipeline_mode<synchronous>, transform_indices = @transform_9, window_bounds = array<i64: 2304, 768>}, {transform_indices = @transform_10, window_bounds = array<i64: 1, 1, 768>}, {pipeline_mode = #tpu.pipeline_mode<synchronous>, transform_indices = @transform_11, window_bounds = array<i64: 768, 16>}, {pipeline_mode = #tpu.pipeline_mode<synchronous>, transform_indices = @transform_12, window_bounds = array<i64: 1, 16>}, {transform_indices = @transform_13, window_bounds = array<i64: 1, 512, 16>}]} {
    %get3A = arith.constant 0 : index
    %get3A_0 = arith.constant 0 : index
    %get3A_1 = arith.constant 0 : index
    %get3A_2 = vector.load %arg2[%get3A, %get3A_0, %get3A_1] : memref<1x512x768xf32, #tpu.memory_space<vmem>>, vector<1x512x768xf32>
    %get3A_3 = vector.shape_cast %get3A_2 : vector<1x512x768xf32> to vector<512x768xf32>
    %convert_element_type3A = arith.truncf %get3A_3 : vector<512x768xf32> to vector<512x768xbf16>
    %get3A_4 = arith.constant 0 : index
    %get3A_5 = arith.constant 0 : index
    %get3A_6 = vector.load %arg5[%get3A_4, %get3A_5] : memref<768x768xbf16, #tpu.memory_space<vmem>>, vector<768x768xbf16>
    %dot_general3A = arith.constant dense<0.000000e+00> : vector<512x768xf32>
    %dot_general3A_7 = tpu.matmul %convert_element_type3A, %get3A_6, %dot_general3A {dimension_numbers = #tpu.dot_dimension_numbers<[1], [0], [0], [1], [0, 0, 1, 1], [], []>, transpose_lhs_hint = false} : vector<512x768xbf16>, vector<768x768xbf16>, vector<512x768xf32> -> vector<512x768xf32>
    %get3A_8 = arith.constant 0 : index
    %get3A_9 = arith.constant 0 : index
    %get3A_10 = vector.load %arg6[%get3A_8, %get3A_9] : memref<1x768xf32, #tpu.memory_space<vmem>>, vector<1x768xf32>
    %add3A = vector.broadcast %get3A_10 : vector<1x768xf32> to vector<512x768xf32>
    %add3A_11 = arith.addf %dot_general3A_7, %add3A : vector<512x768xf32>
    %get3A_12 = arith.constant 0 : index
    %get3A_13 = arith.constant 0 : index
    %get3A_14 = arith.constant 0 : index
    %get3A_15 = vector.load %arg3[%get3A_12, %get3A_13, %get3A_14] : memref<1x1024x768xbf16, #tpu.memory_space<vmem>>, vector<1x1024x768xbf16>
    %get3A_16 = vector.shape_cast %get3A_15 : vector<1x1024x768xbf16> to vector<1024x768xbf16>
    %get3A_17 = arith.constant 0 : index
    %get3A_18 = arith.constant 0 : index
    %get3A_19 = arith.constant 0 : index
    %get3A_20 = vector.load %arg4[%get3A_17, %get3A_18, %get3A_19] : memref<1x1024x768xbf16, #tpu.memory_space<vmem>>, vector<1x1024x768xbf16>
    %get3A_21 = vector.shape_cast %get3A_20 : vector<1x1024x768xbf16> to vector<1024x768xbf16>
    %slice3A = vector.extract_strided_slice %add3A_11 {offsets = [0, 0], sizes = [512, 64], strides = [1, 1]} : vector<512x768xf32> to vector<512x64xf32>
    %slice3A_22 = vector.extract_strided_slice %get3A_16 {offsets = [0, 0], sizes = [1024, 64], strides = [1, 1]} : vector<1024x768xbf16> to vector<1024x64xbf16>
    %slice3A_23 = vector.extract_strided_slice %get3A_21 {offsets = [0, 0], sizes = [1024, 64], strides = [1, 1]} : vector<1024x768xbf16> to vector<1024x64xbf16>
    %convert_element_type3A_24 = arith.truncf %slice3A : vector<512x64xf32> to vector<512x64xbf16>
    %dot_general3A_25 = arith.constant dense<0.000000e+00> : vector<512x1024xf32>
    %dot_general3A_26 = tpu.matmul %convert_element_type3A_24, %slice3A_22, %dot_general3A_25 {dimension_numbers = #tpu.dot_dimension_numbers<[1], [1], [0], [0], [0, 0, 1, 0], [], []>, transpose_lhs_hint = false} : vector<512x64xbf16>, vector<1024x64xbf16>, vector<512x1024xf32> -> vector<512x1024xf32>
    %mul3A = arith.constant 1.250000e-01 : f32
    %mul3A_27 = vector.broadcast %mul3A : f32 to vector<512x1024xf32>
    %mul3A_28 = arith.mulf %dot_general3A_26, %mul3A_27 : vector<512x1024xf32>
    %reduce_max3A = arith.constant dense<0xFF800000> : vector<512xf32>
    %reduce_max3A_29 = vector.multi_reduction <maximumf>, %mul3A_28, %reduce_max3A [1] : vector<512x1024xf32> to vector<512xf32>
    %broadcast_in_dim3A = vector.shape_cast %reduce_max3A_29 : vector<512xf32> to vector<512x1xf32>
    %sub3A = vector.broadcast %broadcast_in_dim3A : vector<512x1xf32> to vector<512x1024xf32>
    %sub3A_30 = arith.subf %mul3A_28, %sub3A : vector<512x1024xf32>
    %exp3A = math.exp %sub3A_30 : vector<512x1024xf32>
    %reduce_sum3A = arith.constant dense<0.000000e+00> : vector<512xf32>
    %reduce_sum3A_31 = vector.multi_reduction <add>, %exp3A, %reduce_sum3A [1] : vector<512x1024xf32> to vector<512xf32>
    %broadcast_in_dim3A_32 = vector.shape_cast %reduce_sum3A_31 : vector<512xf32> to vector<512x1xf32>
    %convert_element_type3A_33 = arith.truncf %exp3A : vector<512x1024xf32> to vector<512x1024xbf16>
    %dot_general3A_34 = arith.constant dense<0.000000e+00> : vector<512x64xf32>
    %dot_general3A_35 = tpu.matmul %convert_element_type3A_33, %slice3A_23, %dot_general3A_34 {dimension_numbers = #tpu.dot_dimension_numbers<[1], [0], [0], [1], [0, 0, 1, 1], [], []>, transpose_lhs_hint = false} : vector<512x1024xbf16>, vector<1024x64xbf16>, vector<512x64xf32> -> vector<512x64xf32>
    %div3A = vector.broadcast %broadcast_in_dim3A_32 : vector<512x1xf32> to vector<512x64xf32>
    %div3A_36 = arith.divf %dot_general3A_35, %div3A : vector<512x64xf32>
    %slice3A_37 = vector.extract_strided_slice %add3A_11 {offsets = [0, 64], sizes = [512, 64], strides = [1, 1]} : vector<512x768xf32> to vector<512x64xf32>
    %slice3A_38 = vector.extract_strided_slice %get3A_16 {offsets = [0, 64], sizes = [1024, 64], strides = [1, 1]} : vector<1024x768xbf16> to vector<1024x64xbf16>
    %slice3A_39 = vector.extract_strided_slice %get3A_21 {offsets = [0, 64], sizes = [1024, 64], strides = [1, 1]} : vector<1024x768xbf16> to vector<1024x64xbf16>
    %convert_element_type3A_40 = arith.truncf %slice3A_37 : vector<512x64xf32> to vector<512x64xbf16>
    %dot_general3A_41 = arith.constant dense<0.000000e+00> : vector<512x1024xf32>
    %dot_general3A_42 = tpu.matmul %convert_element_type3A_40, %slice3A_38, %dot_general3A_41 {dimension_numbers = #tpu.dot_dimension_numbers<[1], [1], [0], [0], [0, 0, 1, 0], [], []>, transpose_lhs_hint = false} : vector<512x64xbf16>, vector<1024x64xbf16>, vector<512x1024xf32> -> vector<512x1024xf32>
    %mul3A_43 = arith.constant 1.250000e-01 : f32
    %mul3A_44 = vector.broadcast %mul3A_43 : f32 to vector<512x1024xf32>
    %mul3A_45 = arith.mulf %dot_general3A_42, %mul3A_44 : vector<512x1024xf32>
    %reduce_max3A_46 = arith.constant dense<0xFF800000> : vector<512xf32>
    %reduce_max3A_47 = vector.multi_reduction <maximumf>, %mul3A_45, %reduce_max3A_46 [1] : vector<512x1024xf32> to vector<512xf32>
    %broadcast_in_dim3A_48 = vector.shape_cast %reduce_max3A_47 : vector<512xf32> to vector<512x1xf32>
    %sub3A_49 = vector.broadcast %broadcast_in_dim3A_48 : vector<512x1xf32> to vector<512x1024xf32>
    %sub3A_50 = arith.subf %mul3A_45, %sub3A_49 : vector<512x1024xf32>
    %exp3A_51 = math.exp %sub3A_50 : vector<512x1024xf32>
    %reduce_sum3A_52 = arith.constant dense<0.000000e+00> : vector<512xf32>
    %reduce_sum3A_53 = vector.multi_reduction <add>, %exp3A_51, %reduce_sum3A_52 [1] : vector<512x1024xf32> to vector<512xf32>
    %broadcast_in_dim3A_54 = vector.shape_cast %reduce_sum3A_53 : vector<512xf32> to vector<512x1xf32>
    %convert_element_type3A_55 = arith.truncf %exp3A_51 : vector<512x1024xf32> to vector<512x1024xbf16>
    %dot_general3A_56 = arith.constant dense<0.000000e+00> : vector<512x64xf32>
    %dot_general3A_57 = tpu.matmul %convert_element_type3A_55, %slice3A_39, %dot_general3A_56 {dimension_numbers = #tpu.dot_dimension_numbers<[1], [0], [0], [1], [0, 0, 1, 1], [], []>, transpose_lhs_hint = false} : vector<512x1024xbf16>, vector<1024x64xbf16>, vector<512x64xf32> -> vector<512x64xf32>
    %div3A_58 = vector.broadcast %broadcast_in_dim3A_54 : vector<512x1xf32> to vector<512x64xf32>
    %div3A_59 = arith.divf %dot_general3A_57, %div3A_58 : vector<512x64xf32>
    %slice3A_60 = vector.extract_strided_slice %add3A_11 {offsets = [0, 128], sizes = [512, 64], strides = [1, 1]} : vector<512x768xf32> to vector<512x64xf32>
    %slice3A_61 = vector.extract_strided_slice %get3A_16 {offsets = [0, 128], sizes = [1024, 64], strides = [1, 1]} : vector<1024x768xbf16> to vector<1024x64xbf16>
    %slice3A_62 = vector.extract_strided_slice %get3A_21 {offsets = [0, 128], sizes = [1024, 64], strides = [1, 1]} : vector<1024x768xbf16> to vector<1024x64xbf16>
    %convert_element_type3A_63 = arith.truncf %slice3A_60 : vector<512x64xf32> to vector<512x64xbf16>
    %dot_general3A_64 = arith.constant dense<0.000000e+00> : vector<512x1024xf32>
    %dot_general3A_65 = tpu.matmul %convert_element_type3A_63, %slice3A_61, %dot_general3A_64 {dimension_numbers = #tpu.dot_dimension_numbers<[1], [1], [0], [0], [0, 0, 1, 0], [], []>, transpose_lhs_hint = false} : vector<512x64xbf16>, vector<1024x64xbf16>, vector<512x1024xf32> -> vector<512x1024xf32>
    %mul3A_66 = arith.constant 1.250000e-01 : f32
    %mul3A_67 = vector.broadcast %mul3A_66 : f32 to vector<512x1024xf32>
    %mul3A_68 = arith.mulf %dot_general3A_65, %mul3A_67 : vector<512x1024xf32>
    %reduce_max3A_69 = arith.constant dense<0xFF800000> : vector<512xf32>
    %reduce_max3A_70 = vector.multi_reduction <maximumf>, %mul3A_68, %reduce_max3A_69 [1] : vector<512x1024xf32> to vector<512xf32>
    %broadcast_in_dim3A_71 = vector.shape_cast %reduce_max3A_70 : vector<512xf32> to vector<512x1xf32>
    %sub3A_72 = vector.broadcast %broadcast_in_dim3A_71 : vector<512x1xf32> to vector<512x1024xf32>
    %sub3A_73 = arith.subf %mul3A_68, %sub3A_72 : vector<512x1024xf32>
    %exp3A_74 = math.exp %sub3A_73 : vector<512x1024xf32>
    %reduce_sum3A_75 = arith.constant dense<0.000000e+00> : vector<512xf32>
    %reduce_sum3A_76 = vector.multi_reduction <add>, %exp3A_74, %reduce_sum3A_75 [1] : vector<512x1024xf32> to vector<512xf32>
    %broadcast_in_dim3A_77 = vector.shape_cast %reduce_sum3A_76 : vector<512xf32> to vector<512x1xf32>
    %convert_element_type3A_78 = arith.truncf %exp3A_74 : vector<512x1024xf32> to vector<512x1024xbf16>
    %dot_general3A_79 = arith.constant dense<0.000000e+00> : vector<512x64xf32>
    %dot_general3A_80 = tpu.matmul %convert_element_type3A_78, %slice3A_62, %dot_general3A_79 {dimension_numbers = #tpu.dot_dimension_numbers<[1], [0], [0], [1], [0, 0, 1, 1], [], []>, transpose_lhs_hint = false} : vector<512x1024xbf16>, vector<1024x64xbf16>, vector<512x64xf32> -> vector<512x64xf32>
    %div3A_81 = vector.broadcast %broadcast_in_dim3A_77 : vector<512x1xf32> to vector<512x64xf32>
    %div3A_82 = arith.divf %dot_general3A_80, %div3A_81 : vector<512x64xf32>
    %slice3A_83 = vector.extract_strided_slice %add3A_11 {offsets = [0, 192], sizes = [512, 64], strides = [1, 1]} : vector<512x768xf32> to vector<512x64xf32>
    %slice3A_84 = vector.extract_strided_slice %get3A_16 {offsets = [0, 192], sizes = [1024, 64], strides = [1, 1]} : vector<1024x768xbf16> to vector<1024x64xbf16>
    %slice3A_85 = vector.extract_strided_slice %get3A_21 {offsets = [0, 192], sizes = [1024, 64], strides = [1, 1]} : vector<1024x768xbf16> to vector<1024x64xbf16>
    %convert_element_type3A_86 = arith.truncf %slice3A_83 : vector<512x64xf32> to vector<512x64xbf16>
    %dot_general3A_87 = arith.constant dense<0.000000e+00> : vector<512x1024xf32>
    %dot_general3A_88 = tpu.matmul %convert_element_type3A_86, %slice3A_84, %dot_general3A_87 {dimension_numbers = #tpu.dot_dimension_numbers<[1], [1], [0], [0], [0, 0, 1, 0], [], []>, transpose_lhs_hint = false} : vector<512x64xbf16>, vector<1024x64xbf16>, vector<512x1024xf32> -> vector<512x1024xf32>
    %mul3A_89 = arith.constant 1.250000e-01 : f32
    %mul3A_90 = vector.broadcast %mul3A_89 : f32 to vector<512x1024xf32>
    %mul3A_91 = arith.mulf %dot_general3A_88, %mul3A_90 : vector<512x1024xf32>
    %reduce_max3A_92 = arith.constant dense<0xFF800000> : vector<512xf32>
    %reduce_max3A_93 = vector.multi_reduction <maximumf>, %mul3A_91, %reduce_max3A_92 [1] : vector<512x1024xf32> to vector<512xf32>
    %broadcast_in_dim3A_94 = vector.shape_cast %reduce_max3A_93 : vector<512xf32> to vector<512x1xf32>
    %sub3A_95 = vector.broadcast %broadcast_in_dim3A_94 : vector<512x1xf32> to vector<512x1024xf32>
    %sub3A_96 = arith.subf %mul3A_91, %sub3A_95 : vector<512x1024xf32>
    %exp3A_97 = math.exp %sub3A_96 : vector<512x1024xf32>
    %reduce_sum3A_98 = arith.constant dense<0.000000e+00> : vector<512xf32>
    %reduce_sum3A_99 = vector.multi_reduction <add>, %exp3A_97, %reduce_sum3A_98 [1] : vector<512x1024xf32> to vector<512xf32>
    %broadcast_in_dim3A_100 = vector.shape_cast %reduce_sum3A_99 : vector<512xf32> to vector<512x1xf32>
    %convert_element_type3A_101 = arith.truncf %exp3A_97 : vector<512x1024xf32> to vector<512x1024xbf16>
    %dot_general3A_102 = arith.constant dense<0.000000e+00> : vector<512x64xf32>
    %dot_general3A_103 = tpu.matmul %convert_element_type3A_101, %slice3A_85, %dot_general3A_102 {dimension_numbers = #tpu.dot_dimension_numbers<[1], [0], [0], [1], [0, 0, 1, 1], [], []>, transpose_lhs_hint = false} : vector<512x1024xbf16>, vector<1024x64xbf16>, vector<512x64xf32> -> vector<512x64xf32>
    %div3A_104 = vector.broadcast %broadcast_in_dim3A_100 : vector<512x1xf32> to vector<512x64xf32>
    %div3A_105 = arith.divf %dot_general3A_103, %div3A_104 : vector<512x64xf32>
    %slice3A_106 = vector.extract_strided_slice %add3A_11 {offsets = [0, 256], sizes = [512, 64], strides = [1, 1]} : vector<512x768xf32> to vector<512x64xf32>
    %slice3A_107 = vector.extract_strided_slice %get3A_16 {offsets = [0, 256], sizes = [1024, 64], strides = [1, 1]} : vector<1024x768xbf16> to vector<1024x64xbf16>
    %slice3A_108 = vector.extract_strided_slice %get3A_21 {offsets = [0, 256], sizes = [1024, 64], strides = [1, 1]} : vector<1024x768xbf16> to vector<1024x64xbf16>
    %convert_element_type3A_109 = arith.truncf %slice3A_106 : vector<512x64xf32> to vector<512x64xbf16>
    %dot_general3A_110 = arith.constant dense<0.000000e+00> : vector<512x1024xf32>
    %dot_general3A_111 = tpu.matmul %convert_element_type3A_109, %slice3A_107, %dot_general3A_110 {dimension_numbers = #tpu.dot_dimension_numbers<[1], [1], [0], [0], [0, 0, 1, 0], [], []>, transpose_lhs_hint = false} : vector<512x64xbf16>, vector<1024x64xbf16>, vector<512x1024xf32> -> vector<512x1024xf32>
    %mul3A_112 = arith.constant 1.250000e-01 : f32
    %mul3A_113 = vector.broadcast %mul3A_112 : f32 to vector<512x1024xf32>
    %mul3A_114 = arith.mulf %dot_general3A_111, %mul3A_113 : vector<512x1024xf32>
    %reduce_max3A_115 = arith.constant dense<0xFF800000> : vector<512xf32>
    %reduce_max3A_116 = vector.multi_reduction <maximumf>, %mul3A_114, %reduce_max3A_115 [1] : vector<512x1024xf32> to vector<512xf32>
    %broadcast_in_dim3A_117 = vector.shape_cast %reduce_max3A_116 : vector<512xf32> to vector<512x1xf32>
    %sub3A_118 = vector.broadcast %broadcast_in_dim3A_117 : vector<512x1xf32> to vector<512x1024xf32>
    %sub3A_119 = arith.subf %mul3A_114, %sub3A_118 : vector<512x1024xf32>
    %exp3A_120 = math.exp %sub3A_119 : vector<512x1024xf32>
    %reduce_sum3A_121 = arith.constant dense<0.000000e+00> : vector<512xf32>
    %reduce_sum3A_122 = vector.multi_reduction <add>, %exp3A_120, %reduce_sum3A_121 [1] : vector<512x1024xf32> to vector<512xf32>
    %broadcast_in_dim3A_123 = vector.shape_cast %reduce_sum3A_122 : vector<512xf32> to vector<512x1xf32>
    %convert_element_type3A_124 = arith.truncf %exp3A_120 : vector<512x1024xf32> to vector<512x1024xbf16>
    %dot_general3A_125 = arith.constant dense<0.000000e+00> : vector<512x64xf32>
    %dot_general3A_126 = tpu.matmul %convert_element_type3A_124, %slice3A_108, %dot_general3A_125 {dimension_numbers = #tpu.dot_dimension_numbers<[1], [0], [0], [1], [0, 0, 1, 1], [], []>, transpose_lhs_hint = false} : vector<512x1024xbf16>, vector<1024x64xbf16>, vector<512x64xf32> -> vector<512x64xf32>
    %div3A_127 = vector.broadcast %broadcast_in_dim3A_123 : vector<512x1xf32> to vector<512x64xf32>
    %div3A_128 = arith.divf %dot_general3A_126, %div3A_127 : vector<512x64xf32>
    %slice3A_129 = vector.extract_strided_slice %add3A_11 {offsets = [0, 320], sizes = [512, 64], strides = [1, 1]} : vector<512x768xf32> to vector<512x64xf32>
    %slice3A_130 = vector.extract_strided_slice %get3A_16 {offsets = [0, 320], sizes = [1024, 64], strides = [1, 1]} : vector<1024x768xbf16> to vector<1024x64xbf16>
    %slice3A_131 = vector.extract_strided_slice %get3A_21 {offsets = [0, 320], sizes = [1024, 64], strides = [1, 1]} : vector<1024x768xbf16> to vector<1024x64xbf16>
    %convert_element_type3A_132 = arith.truncf %slice3A_129 : vector<512x64xf32> to vector<512x64xbf16>
    %dot_general3A_133 = arith.constant dense<0.000000e+00> : vector<512x1024xf32>
    %dot_general3A_134 = tpu.matmul %convert_element_type3A_132, %slice3A_130, %dot_general3A_133 {dimension_numbers = #tpu.dot_dimension_numbers<[1], [1], [0], [0], [0, 0, 1, 0], [], []>, transpose_lhs_hint = false} : vector<512x64xbf16>, vector<1024x64xbf16>, vector<512x1024xf32> -> vector<512x1024xf32>
    %mul3A_135 = arith.constant 1.250000e-01 : f32
    %mul3A_136 = vector.broadcast %mul3A_135 : f32 to vector<512x1024xf32>
    %mul3A_137 = arith.mulf %dot_general3A_134, %mul3A_136 : vector<512x1024xf32>
    %reduce_max3A_138 = arith.constant dense<0xFF800000> : vector<512xf32>
    %reduce_max3A_139 = vector.multi_reduction <maximumf>, %mul3A_137, %reduce_max3A_138 [1] : vector<512x1024xf32> to vector<512xf32>
    %broadcast_in_dim3A_140 = vector.shape_cast %reduce_max3A_139 : vector<512xf32> to vector<512x1xf32>
    %sub3A_141 = vector.broadcast %broadcast_in_dim3A_140 : vector<512x1xf32> to vector<512x1024xf32>
    %sub3A_142 = arith.subf %mul3A_137, %sub3A_141 : vector<512x1024xf32>
    %exp3A_143 = math.exp %sub3A_142 : vector<512x1024xf32>
    %reduce_sum3A_144 = arith.constant dense<0.000000e+00> : vector<512xf32>
    %reduce_sum3A_145 = vector.multi_reduction <add>, %exp3A_143, %reduce_sum3A_144 [1] : vector<512x1024xf32> to vector<512xf32>
    %broadcast_in_dim3A_146 = vector.shape_cast %reduce_sum3A_145 : vector<512xf32> to vector<512x1xf32>
    %convert_element_type3A_147 = arith.truncf %exp3A_143 : vector<512x1024xf32> to vector<512x1024xbf16>
    %dot_general3A_148 = arith.constant dense<0.000000e+00> : vector<512x64xf32>
    %dot_general3A_149 = tpu.matmul %convert_element_type3A_147, %slice3A_131, %dot_general3A_148 {dimension_numbers = #tpu.dot_dimension_numbers<[1], [0], [0], [1], [0, 0, 1, 1], [], []>, transpose_lhs_hint = false} : vector<512x1024xbf16>, vector<1024x64xbf16>, vector<512x64xf32> -> vector<512x64xf32>
    %div3A_150 = vector.broadcast %broadcast_in_dim3A_146 : vector<512x1xf32> to vector<512x64xf32>
    %div3A_151 = arith.divf %dot_general3A_149, %div3A_150 : vector<512x64xf32>
    %slice3A_152 = vector.extract_strided_slice %add3A_11 {offsets = [0, 384], sizes = [512, 64], strides = [1, 1]} : vector<512x768xf32> to vector<512x64xf32>
    %slice3A_153 = vector.extract_strided_slice %get3A_16 {offsets = [0, 384], sizes = [1024, 64], strides = [1, 1]} : vector<1024x768xbf16> to vector<1024x64xbf16>
    %slice3A_154 = vector.extract_strided_slice %get3A_21 {offsets = [0, 384], sizes = [1024, 64], strides = [1, 1]} : vector<1024x768xbf16> to vector<1024x64xbf16>
    %convert_element_type3A_155 = arith.truncf %slice3A_152 : vector<512x64xf32> to vector<512x64xbf16>
    %dot_general3A_156 = arith.constant dense<0.000000e+00> : vector<512x1024xf32>
    %dot_general3A_157 = tpu.matmul %convert_element_type3A_155, %slice3A_153, %dot_general3A_156 {dimension_numbers = #tpu.dot_dimension_numbers<[1], [1], [0], [0], [0, 0, 1, 0], [], []>, transpose_lhs_hint = false} : vector<512x64xbf16>, vector<1024x64xbf16>, vector<512x1024xf32> -> vector<512x1024xf32>
    %mul3A_158 = arith.constant 1.250000e-01 : f32
    %mul3A_159 = vector.broadcast %mul3A_158 : f32 to vector<512x1024xf32>
    %mul3A_160 = arith.mulf %dot_general3A_157, %mul3A_159 : vector<512x1024xf32>
    %reduce_max3A_161 = arith.constant dense<0xFF800000> : vector<512xf32>
    %reduce_max3A_162 = vector.multi_reduction <maximumf>, %mul3A_160, %reduce_max3A_161 [1] : vector<512x1024xf32> to vector<512xf32>
    %broadcast_in_dim3A_163 = vector.shape_cast %reduce_max3A_162 : vector<512xf32> to vector<512x1xf32>
    %sub3A_164 = vector.broadcast %broadcast_in_dim3A_163 : vector<512x1xf32> to vector<512x1024xf32>
    %sub3A_165 = arith.subf %mul3A_160, %sub3A_164 : vector<512x1024xf32>
    %exp3A_166 = math.exp %sub3A_165 : vector<512x1024xf32>
    %reduce_sum3A_167 = arith.constant dense<0.000000e+00> : vector<512xf32>
    %reduce_sum3A_168 = vector.multi_reduction <add>, %exp3A_166, %reduce_sum3A_167 [1] : vector<512x1024xf32> to vector<512xf32>
    %broadcast_in_dim3A_169 = vector.shape_cast %reduce_sum3A_168 : vector<512xf32> to vector<512x1xf32>
    %convert_element_type3A_170 = arith.truncf %exp3A_166 : vector<512x1024xf32> to vector<512x1024xbf16>
    %dot_general3A_171 = arith.constant dense<0.000000e+00> : vector<512x64xf32>
    %dot_general3A_172 = tpu.matmul %convert_element_type3A_170, %slice3A_154, %dot_general3A_171 {dimension_numbers = #tpu.dot_dimension_numbers<[1], [0], [0], [1], [0, 0, 1, 1], [], []>, transpose_lhs_hint = false} : vector<512x1024xbf16>, vector<1024x64xbf16>, vector<512x64xf32> -> vector<512x64xf32>
    %div3A_173 = vector.broadcast %broadcast_in_dim3A_169 : vector<512x1xf32> to vector<512x64xf32>
    %div3A_174 = arith.divf %dot_general3A_172, %div3A_173 : vector<512x64xf32>
    %slice3A_175 = vector.extract_strided_slice %add3A_11 {offsets = [0, 448], sizes = [512, 64], strides = [1, 1]} : vector<512x768xf32> to vector<512x64xf32>
    %slice3A_176 = vector.extract_strided_slice %get3A_16 {offsets = [0, 448], sizes = [1024, 64], strides = [1, 1]} : vector<1024x768xbf16> to vector<1024x64xbf16>
    %slice3A_177 = vector.extract_strided_slice %get3A_21 {offsets = [0, 448], sizes = [1024, 64], strides = [1, 1]} : vector<1024x768xbf16> to vector<1024x64xbf16>
    %convert_element_type3A_178 = arith.truncf %slice3A_175 : vector<512x64xf32> to vector<512x64xbf16>
    %dot_general3A_179 = arith.constant dense<0.000000e+00> : vector<512x1024xf32>
    %dot_general3A_180 = tpu.matmul %convert_element_type3A_178, %slice3A_176, %dot_general3A_179 {dimension_numbers = #tpu.dot_dimension_numbers<[1], [1], [0], [0], [0, 0, 1, 0], [], []>, transpose_lhs_hint = false} : vector<512x64xbf16>, vector<1024x64xbf16>, vector<512x1024xf32> -> vector<512x1024xf32>
    %mul3A_181 = arith.constant 1.250000e-01 : f32
    %mul3A_182 = vector.broadcast %mul3A_181 : f32 to vector<512x1024xf32>
    %mul3A_183 = arith.mulf %dot_general3A_180, %mul3A_182 : vector<512x1024xf32>
    %reduce_max3A_184 = arith.constant dense<0xFF800000> : vector<512xf32>
    %reduce_max3A_185 = vector.multi_reduction <maximumf>, %mul3A_183, %reduce_max3A_184 [1] : vector<512x1024xf32> to vector<512xf32>
    %broadcast_in_dim3A_186 = vector.shape_cast %reduce_max3A_185 : vector<512xf32> to vector<512x1xf32>
    %sub3A_187 = vector.broadcast %broadcast_in_dim3A_186 : vector<512x1xf32> to vector<512x1024xf32>
    %sub3A_188 = arith.subf %mul3A_183, %sub3A_187 : vector<512x1024xf32>
    %exp3A_189 = math.exp %sub3A_188 : vector<512x1024xf32>
    %reduce_sum3A_190 = arith.constant dense<0.000000e+00> : vector<512xf32>
    %reduce_sum3A_191 = vector.multi_reduction <add>, %exp3A_189, %reduce_sum3A_190 [1] : vector<512x1024xf32> to vector<512xf32>
    %broadcast_in_dim3A_192 = vector.shape_cast %reduce_sum3A_191 : vector<512xf32> to vector<512x1xf32>
    %convert_element_type3A_193 = arith.truncf %exp3A_189 : vector<512x1024xf32> to vector<512x1024xbf16>
    %dot_general3A_194 = arith.constant dense<0.000000e+00> : vector<512x64xf32>
    %dot_general3A_195 = tpu.matmul %convert_element_type3A_193, %slice3A_177, %dot_general3A_194 {dimension_numbers = #tpu.dot_dimension_numbers<[1], [0], [0], [1], [0, 0, 1, 1], [], []>, transpose_lhs_hint = false} : vector<512x1024xbf16>, vector<1024x64xbf16>, vector<512x64xf32> -> vector<512x64xf32>
    %div3A_196 = vector.broadcast %broadcast_in_dim3A_192 : vector<512x1xf32> to vector<512x64xf32>
    %div3A_197 = arith.divf %dot_general3A_195, %div3A_196 : vector<512x64xf32>
    %slice3A_198 = vector.extract_strided_slice %add3A_11 {offsets = [0, 512], sizes = [512, 64], strides = [1, 1]} : vector<512x768xf32> to vector<512x64xf32>
    %slice3A_199 = vector.extract_strided_slice %get3A_16 {offsets = [0, 512], sizes = [1024, 64], strides = [1, 1]} : vector<1024x768xbf16> to vector<1024x64xbf16>
    %slice3A_200 = vector.extract_strided_slice %get3A_21 {offsets = [0, 512], sizes = [1024, 64], strides = [1, 1]} : vector<1024x768xbf16> to vector<1024x64xbf16>
    %convert_element_type3A_201 = arith.truncf %slice3A_198 : vector<512x64xf32> to vector<512x64xbf16>
    %dot_general3A_202 = arith.constant dense<0.000000e+00> : vector<512x1024xf32>
    %dot_general3A_203 = tpu.matmul %convert_element_type3A_201, %slice3A_199, %dot_general3A_202 {dimension_numbers = #tpu.dot_dimension_numbers<[1], [1], [0], [0], [0, 0, 1, 0], [], []>, transpose_lhs_hint = false} : vector<512x64xbf16>, vector<1024x64xbf16>, vector<512x1024xf32> -> vector<512x1024xf32>
    %mul3A_204 = arith.constant 1.250000e-01 : f32
    %mul3A_205 = vector.broadcast %mul3A_204 : f32 to vector<512x1024xf32>
    %mul3A_206 = arith.mulf %dot_general3A_203, %mul3A_205 : vector<512x1024xf32>
    %reduce_max3A_207 = arith.constant dense<0xFF800000> : vector<512xf32>
    %reduce_max3A_208 = vector.multi_reduction <maximumf>, %mul3A_206, %reduce_max3A_207 [1] : vector<512x1024xf32> to vector<512xf32>
    %broadcast_in_dim3A_209 = vector.shape_cast %reduce_max3A_208 : vector<512xf32> to vector<512x1xf32>
    %sub3A_210 = vector.broadcast %broadcast_in_dim3A_209 : vector<512x1xf32> to vector<512x1024xf32>
    %sub3A_211 = arith.subf %mul3A_206, %sub3A_210 : vector<512x1024xf32>
    %exp3A_212 = math.exp %sub3A_211 : vector<512x1024xf32>
    %reduce_sum3A_213 = arith.constant dense<0.000000e+00> : vector<512xf32>
    %reduce_sum3A_214 = vector.multi_reduction <add>, %exp3A_212, %reduce_sum3A_213 [1] : vector<512x1024xf32> to vector<512xf32>
    %broadcast_in_dim3A_215 = vector.shape_cast %reduce_sum3A_214 : vector<512xf32> to vector<512x1xf32>
    %convert_element_type3A_216 = arith.truncf %exp3A_212 : vector<512x1024xf32> to vector<512x1024xbf16>
    %dot_general3A_217 = arith.constant dense<0.000000e+00> : vector<512x64xf32>
    %dot_general3A_218 = tpu.matmul %convert_element_type3A_216, %slice3A_200, %dot_general3A_217 {dimension_numbers = #tpu.dot_dimension_numbers<[1], [0], [0], [1], [0, 0, 1, 1], [], []>, transpose_lhs_hint = false} : vector<512x1024xbf16>, vector<1024x64xbf16>, vector<512x64xf32> -> vector<512x64xf32>
    %div3A_219 = vector.broadcast %broadcast_in_dim3A_215 : vector<512x1xf32> to vector<512x64xf32>
    %div3A_220 = arith.divf %dot_general3A_218, %div3A_219 : vector<512x64xf32>
    %slice3A_221 = vector.extract_strided_slice %add3A_11 {offsets = [0, 576], sizes = [512, 64], strides = [1, 1]} : vector<512x768xf32> to vector<512x64xf32>
    %slice3A_222 = vector.extract_strided_slice %get3A_16 {offsets = [0, 576], sizes = [1024, 64], strides = [1, 1]} : vector<1024x768xbf16> to vector<1024x64xbf16>
    %slice3A_223 = vector.extract_strided_slice %get3A_21 {offsets = [0, 576], sizes = [1024, 64], strides = [1, 1]} : vector<1024x768xbf16> to vector<1024x64xbf16>
    %convert_element_type3A_224 = arith.truncf %slice3A_221 : vector<512x64xf32> to vector<512x64xbf16>
    %dot_general3A_225 = arith.constant dense<0.000000e+00> : vector<512x1024xf32>
    %dot_general3A_226 = tpu.matmul %convert_element_type3A_224, %slice3A_222, %dot_general3A_225 {dimension_numbers = #tpu.dot_dimension_numbers<[1], [1], [0], [0], [0, 0, 1, 0], [], []>, transpose_lhs_hint = false} : vector<512x64xbf16>, vector<1024x64xbf16>, vector<512x1024xf32> -> vector<512x1024xf32>
    %mul3A_227 = arith.constant 1.250000e-01 : f32
    %mul3A_228 = vector.broadcast %mul3A_227 : f32 to vector<512x1024xf32>
    %mul3A_229 = arith.mulf %dot_general3A_226, %mul3A_228 : vector<512x1024xf32>
    %reduce_max3A_230 = arith.constant dense<0xFF800000> : vector<512xf32>
    %reduce_max3A_231 = vector.multi_reduction <maximumf>, %mul3A_229, %reduce_max3A_230 [1] : vector<512x1024xf32> to vector<512xf32>
    %broadcast_in_dim3A_232 = vector.shape_cast %reduce_max3A_231 : vector<512xf32> to vector<512x1xf32>
    %sub3A_233 = vector.broadcast %broadcast_in_dim3A_232 : vector<512x1xf32> to vector<512x1024xf32>
    %sub3A_234 = arith.subf %mul3A_229, %sub3A_233 : vector<512x1024xf32>
    %exp3A_235 = math.exp %sub3A_234 : vector<512x1024xf32>
    %reduce_sum3A_236 = arith.constant dense<0.000000e+00> : vector<512xf32>
    %reduce_sum3A_237 = vector.multi_reduction <add>, %exp3A_235, %reduce_sum3A_236 [1] : vector<512x1024xf32> to vector<512xf32>
    %broadcast_in_dim3A_238 = vector.shape_cast %reduce_sum3A_237 : vector<512xf32> to vector<512x1xf32>
    %convert_element_type3A_239 = arith.truncf %exp3A_235 : vector<512x1024xf32> to vector<512x1024xbf16>
    %dot_general3A_240 = arith.constant dense<0.000000e+00> : vector<512x64xf32>
    %dot_general3A_241 = tpu.matmul %convert_element_type3A_239, %slice3A_223, %dot_general3A_240 {dimension_numbers = #tpu.dot_dimension_numbers<[1], [0], [0], [1], [0, 0, 1, 1], [], []>, transpose_lhs_hint = false} : vector<512x1024xbf16>, vector<1024x64xbf16>, vector<512x64xf32> -> vector<512x64xf32>
    %div3A_242 = vector.broadcast %broadcast_in_dim3A_238 : vector<512x1xf32> to vector<512x64xf32>
    %div3A_243 = arith.divf %dot_general3A_241, %div3A_242 : vector<512x64xf32>
    %slice3A_244 = vector.extract_strided_slice %add3A_11 {offsets = [0, 640], sizes = [512, 64], strides = [1, 1]} : vector<512x768xf32> to vector<512x64xf32>
    %slice3A_245 = vector.extract_strided_slice %get3A_16 {offsets = [0, 640], sizes = [1024, 64], strides = [1, 1]} : vector<1024x768xbf16> to vector<1024x64xbf16>
    %slice3A_246 = vector.extract_strided_slice %get3A_21 {offsets = [0, 640], sizes = [1024, 64], strides = [1, 1]} : vector<1024x768xbf16> to vector<1024x64xbf16>
    %convert_element_type3A_247 = arith.truncf %slice3A_244 : vector<512x64xf32> to vector<512x64xbf16>
    %dot_general3A_248 = arith.constant dense<0.000000e+00> : vector<512x1024xf32>
    %dot_general3A_249 = tpu.matmul %convert_element_type3A_247, %slice3A_245, %dot_general3A_248 {dimension_numbers = #tpu.dot_dimension_numbers<[1], [1], [0], [0], [0, 0, 1, 0], [], []>, transpose_lhs_hint = false} : vector<512x64xbf16>, vector<1024x64xbf16>, vector<512x1024xf32> -> vector<512x1024xf32>
    %mul3A_250 = arith.constant 1.250000e-01 : f32
    %mul3A_251 = vector.broadcast %mul3A_250 : f32 to vector<512x1024xf32>
    %mul3A_252 = arith.mulf %dot_general3A_249, %mul3A_251 : vector<512x1024xf32>
    %reduce_max3A_253 = arith.constant dense<0xFF800000> : vector<512xf32>
    %reduce_max3A_254 = vector.multi_reduction <maximumf>, %mul3A_252, %reduce_max3A_253 [1] : vector<512x1024xf32> to vector<512xf32>
    %broadcast_in_dim3A_255 = vector.shape_cast %reduce_max3A_254 : vector<512xf32> to vector<512x1xf32>
    %sub3A_256 = vector.broadcast %broadcast_in_dim3A_255 : vector<512x1xf32> to vector<512x1024xf32>
    %sub3A_257 = arith.subf %mul3A_252, %sub3A_256 : vector<512x1024xf32>
    %exp3A_258 = math.exp %sub3A_257 : vector<512x1024xf32>
    %reduce_sum3A_259 = arith.constant dense<0.000000e+00> : vector<512xf32>
    %reduce_sum3A_260 = vector.multi_reduction <add>, %exp3A_258, %reduce_sum3A_259 [1] : vector<512x1024xf32> to vector<512xf32>
    %broadcast_in_dim3A_261 = vector.shape_cast %reduce_sum3A_260 : vector<512xf32> to vector<512x1xf32>
    %convert_element_type3A_262 = arith.truncf %exp3A_258 : vector<512x1024xf32> to vector<512x1024xbf16>
    %dot_general3A_263 = arith.constant dense<0.000000e+00> : vector<512x64xf32>
    %dot_general3A_264 = tpu.matmul %convert_element_type3A_262, %slice3A_246, %dot_general3A_263 {dimension_numbers = #tpu.dot_dimension_numbers<[1], [0], [0], [1], [0, 0, 1, 1], [], []>, transpose_lhs_hint = false} : vector<512x1024xbf16>, vector<1024x64xbf16>, vector<512x64xf32> -> vector<512x64xf32>
    %div3A_265 = vector.broadcast %broadcast_in_dim3A_261 : vector<512x1xf32> to vector<512x64xf32>
    %div3A_266 = arith.divf %dot_general3A_264, %div3A_265 : vector<512x64xf32>
    %slice3A_267 = vector.extract_strided_slice %add3A_11 {offsets = [0, 704], sizes = [512, 64], strides = [1, 1]} : vector<512x768xf32> to vector<512x64xf32>
    %slice3A_268 = vector.extract_strided_slice %get3A_16 {offsets = [0, 704], sizes = [1024, 64], strides = [1, 1]} : vector<1024x768xbf16> to vector<1024x64xbf16>
    %slice3A_269 = vector.extract_strided_slice %get3A_21 {offsets = [0, 704], sizes = [1024, 64], strides = [1, 1]} : vector<1024x768xbf16> to vector<1024x64xbf16>
    %convert_element_type3A_270 = arith.truncf %slice3A_267 : vector<512x64xf32> to vector<512x64xbf16>
    %dot_general3A_271 = arith.constant dense<0.000000e+00> : vector<512x1024xf32>
    %dot_general3A_272 = tpu.matmul %convert_element_type3A_270, %slice3A_268, %dot_general3A_271 {dimension_numbers = #tpu.dot_dimension_numbers<[1], [1], [0], [0], [0, 0, 1, 0], [], []>, transpose_lhs_hint = false} : vector<512x64xbf16>, vector<1024x64xbf16>, vector<512x1024xf32> -> vector<512x1024xf32>
    %mul3A_273 = arith.constant 1.250000e-01 : f32
    %mul3A_274 = vector.broadcast %mul3A_273 : f32 to vector<512x1024xf32>
    %mul3A_275 = arith.mulf %dot_general3A_272, %mul3A_274 : vector<512x1024xf32>
    %reduce_max3A_276 = arith.constant dense<0xFF800000> : vector<512xf32>
    %reduce_max3A_277 = vector.multi_reduction <maximumf>, %mul3A_275, %reduce_max3A_276 [1] : vector<512x1024xf32> to vector<512xf32>
    %broadcast_in_dim3A_278 = vector.shape_cast %reduce_max3A_277 : vector<512xf32> to vector<512x1xf32>
    %sub3A_279 = vector.broadcast %broadcast_in_dim3A_278 : vector<512x1xf32> to vector<512x1024xf32>
    %sub3A_280 = arith.subf %mul3A_275, %sub3A_279 : vector<512x1024xf32>
    %exp3A_281 = math.exp %sub3A_280 : vector<512x1024xf32>
    %reduce_sum3A_282 = arith.constant dense<0.000000e+00> : vector<512xf32>
    %reduce_sum3A_283 = vector.multi_reduction <add>, %exp3A_281, %reduce_sum3A_282 [1] : vector<512x1024xf32> to vector<512xf32>
    %broadcast_in_dim3A_284 = vector.shape_cast %reduce_sum3A_283 : vector<512xf32> to vector<512x1xf32>
    %convert_element_type3A_285 = arith.truncf %exp3A_281 : vector<512x1024xf32> to vector<512x1024xbf16>
    %dot_general3A_286 = arith.constant dense<0.000000e+00> : vector<512x64xf32>
    %dot_general3A_287 = tpu.matmul %convert_element_type3A_285, %slice3A_269, %dot_general3A_286 {dimension_numbers = #tpu.dot_dimension_numbers<[1], [0], [0], [1], [0, 0, 1, 1], [], []>, transpose_lhs_hint = false} : vector<512x1024xbf16>, vector<1024x64xbf16>, vector<512x64xf32> -> vector<512x64xf32>
    %div3A_288 = vector.broadcast %broadcast_in_dim3A_284 : vector<512x1xf32> to vector<512x64xf32>
    %div3A_289 = arith.divf %dot_general3A_287, %div3A_288 : vector<512x64xf32>
    %concatenate3A = tpu.concatenate %div3A_36, %div3A_59, %div3A_82, %div3A_105, %div3A_128, %div3A_151, %div3A_174, %div3A_197, %div3A_220, %div3A_243, %div3A_266, %div3A_289 in 1 : vector<512x64xf32>, vector<512x64xf32>, vector<512x64xf32>, vector<512x64xf32>, vector<512x64xf32>, vector<512x64xf32>, vector<512x64xf32>, vector<512x64xf32>, vector<512x64xf32>, vector<512x64xf32>, vector<512x64xf32>, vector<512x64xf32> -> vector<512x768xf32>
    %convert_element_type3A_290 = arith.truncf %concatenate3A : vector<512x768xf32> to vector<512x768xbf16>
    %get3A_291 = arith.constant 0 : index
    %get3A_292 = arith.constant 0 : index
    %get3A_293 = vector.load %arg7[%get3A_291, %get3A_292] : memref<768x768xbf16, #tpu.memory_space<vmem>>, vector<768x768xbf16>
    %dot_general3A_294 = arith.constant dense<0.000000e+00> : vector<512x768xf32>
    %dot_general3A_295 = tpu.matmul %convert_element_type3A_290, %get3A_293, %dot_general3A_294 {dimension_numbers = #tpu.dot_dimension_numbers<[1], [0], [0], [1], [0, 0, 1, 1], [], []>, transpose_lhs_hint = false} : vector<512x768xbf16>, vector<768x768xbf16>, vector<512x768xf32> -> vector<512x768xf32>
    %get3A_296 = arith.constant 0 : index
    %get3A_297 = arith.constant 0 : index
    %get3A_298 = vector.load %arg8[%get3A_296, %get3A_297] : memref<1x768xf32, #tpu.memory_space<vmem>>, vector<1x768xf32>
    %add3A_299 = vector.broadcast %get3A_298 : vector<1x768xf32> to vector<512x768xf32>
    %add3A_300 = arith.addf %dot_general3A_295, %add3A_299 : vector<512x768xf32>
    %add3A_301 = arith.addf %add3A_300, %get3A_3 : vector<512x768xf32>
    %reduce_sum3A_302 = arith.constant dense<0.000000e+00> : vector<512xf32>
    %reduce_sum3A_303 = vector.multi_reduction <add>, %add3A_301, %reduce_sum3A_302 [1] : vector<512x768xf32> to vector<512xf32>
    %broadcast_in_dim3A_304 = vector.shape_cast %reduce_sum3A_303 : vector<512xf32> to vector<512x1xf32>
    %div3A_305 = arith.constant 7.680000e+02 : f32
    %div3A_306 = vector.broadcast %div3A_305 : f32 to vector<512x1xf32>
    %div3A_307 = arith.divf %broadcast_in_dim3A_304, %div3A_306 : vector<512x1xf32>
    %sub3A_308 = vector.broadcast %div3A_307 : vector<512x1xf32> to vector<512x768xf32>
    %sub3A_309 = arith.subf %add3A_301, %sub3A_308 : vector<512x768xf32>
    %integer_pow3A = arith.mulf %sub3A_309, %sub3A_309 : vector<512x768xf32>
    %reduce_sum3A_310 = arith.constant dense<0.000000e+00> : vector<512xf32>
    %reduce_sum3A_311 = vector.multi_reduction <add>, %integer_pow3A, %reduce_sum3A_310 [1] : vector<512x768xf32> to vector<512xf32>
    %broadcast_in_dim3A_312 = vector.shape_cast %reduce_sum3A_311 : vector<512xf32> to vector<512x1xf32>
    %div3A_313 = arith.constant 7.680000e+02 : f32
    %div3A_314 = vector.broadcast %div3A_313 : f32 to vector<512x1xf32>
    %div3A_315 = arith.divf %broadcast_in_dim3A_312, %div3A_314 : vector<512x1xf32>
    %sub3A_316 = vector.broadcast %div3A_307 : vector<512x1xf32> to vector<512x768xf32>
    %sub3A_317 = arith.subf %add3A_301, %sub3A_316 : vector<512x768xf32>
    %add3A_318 = arith.constant 9.99999974E-6 : f32
    %add3A_319 = vector.broadcast %add3A_318 : f32 to vector<512x1xf32>
    %add3A_320 = arith.addf %div3A_315, %add3A_319 : vector<512x1xf32>
    %sqrt3A = math.sqrt %add3A_320 : vector<512x1xf32>
    %div3A_321 = vector.broadcast %sqrt3A : vector<512x1xf32> to vector<512x768xf32>
    %div3A_322 = arith.divf %sub3A_317, %div3A_321 : vector<512x768xf32>
    %get3A_323 = arith.constant 0 : index
    %get3A_324 = arith.constant 0 : index
    %get3A_325 = vector.load %arg9[%get3A_323, %get3A_324] : memref<1x768xf32, #tpu.memory_space<vmem>>, vector<1x768xf32>
    %mul3A_326 = vector.broadcast %get3A_325 : vector<1x768xf32> to vector<512x768xf32>
    %mul3A_327 = arith.mulf %div3A_322, %mul3A_326 : vector<512x768xf32>
    %get3A_328 = arith.constant 0 : index
    %get3A_329 = arith.constant 0 : index
    %get3A_330 = vector.load %arg10[%get3A_328, %get3A_329] : memref<1x768xf32, #tpu.memory_space<vmem>>, vector<1x768xf32>
    %add3A_331 = vector.broadcast %get3A_330 : vector<1x768xf32> to vector<512x768xf32>
    %add3A_332 = arith.addf %mul3A_327, %add3A_331 : vector<512x768xf32>
    %convert_element_type3A_333 = arith.truncf %add3A_332 : vector<512x768xf32> to vector<512x768xbf16>
    %get3A_334 = arith.constant 0 : index
    %get3A_335 = arith.constant 0 : index
    %get3A_336 = arith.constant 0 : index
    %get3A_337 = vector.load %arg12[%get3A_334, %get3A_335, %get3A_336] : memref<1x1x768xf32, #tpu.memory_space<vmem>>, vector<1x1x768xf32>
    %get3A_338 = vector.shape_cast %get3A_337 : vector<1x1x768xf32> to vector<1x768xf32>
    %convert_element_type3A_339 = arith.truncf %get3A_338 : vector<1x768xf32> to vector<1x768xbf16>
    %broadcast_in_dim3A_340 = vector.shape_cast %convert_element_type3A_339 : vector<1x768xbf16> to vector<1x768xbf16>
    %broadcast_in_dim3A_341 = vector.broadcast %broadcast_in_dim3A_340 : vector<1x768xbf16> to vector<512x768xbf16>
    %concatenate3A_342 = tpu.concatenate %convert_element_type3A, %convert_element_type3A_333, %broadcast_in_dim3A_341 in 1 : vector<512x768xbf16>, vector<512x768xbf16>, vector<512x768xbf16> -> vector<512x2304xbf16>
    %get3A_343 = arith.constant 0 : index
    %get3A_344 = arith.constant 0 : index
    %get3A_345 = vector.load %arg11[%get3A_343, %get3A_344] : memref<2304x768xbf16, #tpu.memory_space<vmem>>, vector<2304x768xbf16>
    %dot_general3A_346 = arith.constant dense<0.000000e+00> : vector<512x768xf32>
    %dot_general3A_347 = tpu.matmul %concatenate3A_342, %get3A_345, %dot_general3A_346 {dimension_numbers = #tpu.dot_dimension_numbers<[1], [0], [0], [1], [0, 0, 1, 1], [], []>, transpose_lhs_hint = false} : vector<512x2304xbf16>, vector<2304x768xbf16>, vector<512x768xf32> -> vector<512x768xf32>
    %max3A = arith.constant 0.000000e+00 : f32
    %max3A_348 = vector.broadcast %max3A : f32 to vector<512x768xf32>
    %max3A_349 = arith.maximumf %dot_general3A_347, %max3A_348 : vector<512x768xf32>
    %convert_element_type3A_350 = arith.truncf %max3A_349 : vector<512x768xf32> to vector<512x768xbf16>
    %get3A_351 = arith.constant 0 : index
    %get3A_352 = arith.constant 0 : index
    %get3A_353 = vector.load %arg13[%get3A_351, %get3A_352] : memref<768x16xbf16, #tpu.memory_space<vmem>>, vector<768x16xbf16>
    %dot_general3A_354 = arith.constant dense<0.000000e+00> : vector<512x16xf32>
    %dot_general3A_355 = tpu.matmul %convert_element_type3A_350, %get3A_353, %dot_general3A_354 {dimension_numbers = #tpu.dot_dimension_numbers<[1], [0], [0], [1], [0, 0, 1, 1], [], []>, transpose_lhs_hint = false} : vector<512x768xbf16>, vector<768x16xbf16>, vector<512x16xf32> -> vector<512x16xf32>
    %get3A_356 = arith.constant 0 : index
    %get3A_357 = arith.constant 0 : index
    %get3A_358 = vector.load %arg14[%get3A_356, %get3A_357] : memref<1x16xf32, #tpu.memory_space<vmem>>, vector<1x16xf32>
    %add3A_359 = vector.broadcast %get3A_358 : vector<1x16xf32> to vector<512x16xf32>
    %add3A_360 = arith.addf %dot_general3A_355, %add3A_359 : vector<512x16xf32>
    %swap3A = arith.constant 0 : index
    %swap3A_361 = arith.constant 0 : index
    %swap3A_362 = arith.constant 0 : index
    %swap3A_363 = vector.load %arg15[%swap3A, %swap3A_361, %swap3A_362] : memref<1x512x16xf32, #tpu.memory_space<vmem>>, vector<1x512x16xf32>
    %swap3A_364 = vector.shape_cast %swap3A_363 : vector<1x512x16xf32> to vector<512x16xf32>
    %swap3A_365 = vector.shape_cast %add3A_360 : vector<512x16xf32> to vector<1x512x16xf32>
    tpu.vector_store %arg15[%swap3A, %swap3A_361, %swap3A_362], %swap3A_365 {strides = array<i32>} : memref<1x512x16xf32, #tpu.memory_space<vmem>>, vector<1x512x16xf32>,
    return
  }
  func.func @transform_0(%arg0: i32, %arg1: i32) -> (i32, i32, i32) {
    %c0_i32 = arith.constant 0 : i32
    %c0_i32_0 = arith.constant 0 : i32
    return %arg0, %arg1, %c0_i32 : i32, i32, i32
  }
  func.func @transform_1(%arg0: i32, %arg1: i32) -> (i32, i32, i32) {
    %c0_i32 = arith.constant 0 : i32
    %c0_i32_0 = arith.constant 0 : i32
    %c0_i32_1 = arith.constant 0 : i32
    return %arg0, %c0_i32, %c0_i32_0 : i32, i32, i32
  }
  func.func @transform_2(%arg0: i32, %arg1: i32) -> (i32, i32, i32) {
    %c0_i32 = arith.constant 0 : i32
    %c0_i32_0 = arith.constant 0 : i32
    %c0_i32_1 = arith.constant 0 : i32
    return %arg0, %c0_i32, %c0_i32_0 : i32, i32, i32
  }
  func.func @transform_3(%arg0: i32, %arg1: i32) -> (i32, i32) {
    %c0_i32 = arith.constant 0 : i32
    %c0_i32_0 = arith.constant 0 : i32
    %c0_i32_1 = arith.constant 0 : i32
    return %c0_i32, %c0_i32_0 : i32, i32
  }
  func.func @transform_4(%arg0: i32, %arg1: i32) -> (i32, i32) {
    %c0_i32 = arith.constant 0 : i32
    %c0_i32_0 = arith.constant 0 : i32
    %c0_i32_1 = arith.constant 0 : i32
    return %c0_i32, %c0_i32_0 : i32, i32
  }
  func.func @transform_5(%arg0: i32, %arg1: i32) -> (i32, i32) {
    %c0_i32 = arith.constant 0 : i32
    %c0_i32_0 = arith.constant 0 : i32
    %c0_i32_1 = arith.constant 0 : i32
    return %c0_i32, %c0_i32_0 : i32, i32
  }
  func.func @transform_6(%arg0: i32, %arg1: i32) -> (i32, i32) {
    %c0_i32 = arith.constant 0 : i32
    %c0_i32_0 = arith.constant 0 : i32
    %c0_i32_1 = arith.constant 0 : i32
    return %c0_i32, %c0_i32_0 : i32, i32
  }
  func.func @transform_7(%arg0: i32, %arg1: i32) -> (i32, i32) {
    %c0_i32 = arith.constant 0 : i32
    %c0_i32_0 = arith.constant 0 : i32
    %c0_i32_1 = arith.constant 0 : i32
    return %c0_i32, %c0_i32_0 : i32, i32
  }
  func.func @transform_8(%arg0: i32, %arg1: i32) -> (i32, i32) {
    %c0_i32 = arith.constant 0 : i32
    %c0_i32_0 = arith.constant 0 : i32
    %c0_i32_1 = arith.constant 0 : i32
    return %c0_i32, %c0_i32_0 : i32, i32
  }
  func.func @transform_9(%arg0: i32, %arg1: i32) -> (i32, i32) {
    %c0_i32 = arith.constant 0 : i32
    %c0_i32_0 = arith.constant 0 : i32
    %c0_i32_1 = arith.constant 0 : i32
    return %c0_i32, %c0_i32_0 : i32, i32
  }
  func.func @transform_10(%arg0: i32, %arg1: i32) -> (i32, i32, i32) {
    %c0_i32 = arith.constant 0 : i32
    %c0_i32_0 = arith.constant 0 : i32
    %c0_i32_1 = arith.constant 0 : i32
    return %arg0, %c0_i32, %c0_i32_0 : i32, i32, i32
  }
  func.func @transform_11(%arg0: i32, %arg1: i32) -> (i32, i32) {
    %c0_i32 = arith.constant 0 : i32
    %c0_i32_0 = arith.constant 0 : i32
    %c0_i32_1 = arith.constant 0 : i32
    return %c0_i32, %c0_i32_0 : i32, i32
  }
  func.func @transform_12(%arg0: i32, %arg1: i32) -> (i32, i32) {
    %c0_i32 = arith.constant 0 : i32
    %c0_i32_0 = arith.constant 0 : i32
    %c0_i32_1 = arith.constant 0 : i32
    return %c0_i32, %c0_i32_0 : i32, i32
  }
  func.func @transform_13(%arg0: i32, %arg1: i32) -> (i32, i32, i32) {
    %c0_i32 = arith.constant 0 : i32
    %c0_i32_0 = arith.constant 0 : i32
    return %arg0, %arg1, %c0_i32 : i32, i32, i32
  }
}

</mosaic_0001>

<sc_bundles>
// kernel: kernel.5.cloned.1.call-start
scs
__scs_entry_jumppad:
0x0: {  	(pc) =	sbr.rel $0x88, $3  }
0x1: {  	(tag) =	ssettag $0x0;
	lr =	simm.s32 $0x1  }
0x2: {  	[smem:$0x3F8B] =	sst lr;
	_ =	strace $0xD0000000  }
0x3: {  	_ = 	snop  }
0x4: {  	_ = 	snop  }
0x5: {  	_ = 	snop  }
0x6: {  	_ = 	snop  }
0x7: {  	_ = 	snop  }
__scs_overlays_trampoline_lowered:
0x8: {  	[smem:$0x3F9A] =	sst s0  }
0x9: {  	[smem:$0x3F9B] =	sst s1  }
0xa: {  	[smem:$0x3F9C] =	sst s2  }
0xb: {  	[smem:$0x3F9D] =	sst s3  }
0xc: {  	[smem:$0x3F9E] =	sst s4  }
0xd: {  	[smem:$0x3F9F] =	sst s5  }
0xe: {  	[smem:$0x3FA0] =	sst s6  }
0xf: {  	[smem:$0x3FA1] =	sst s7  }
0x10: {  	[smem:$0x3FA2] =	sst s8  }
0x11: {  	[smem:$0x3FA3] =	sst s9;
	s0 =	simm.s32 @!p0 $0x0  }
0x12: {  	s1 =	sld [smem:$0x3F89];
	s0 =	simm.s32 @p0 $0x1  }
0x13: {  	[smem:$0x3FA4] =	sst s0;
	s0 =	simm.s32 @!p1 $0x0  }
0x14: {  	s2 =	sld [smem:$0x3F88];
	s0 =	simm.s32 @p1 $0x1  }
0x15: {  	[smem:$0x3FA5] =	sst s0;
	s0 =	simm.s32 @!p2 $0x0  }
0x16: {  	s3 =	sld [smem:$0x3FDB];
	s0 =	simm.s32 @p2 $0x1  }
0x17: {  	s4 =	simm.s32 $0x1BF5;
	[smem:$0x3FA7] =	sst s0  }
0x18: {  	s0 =	sld [smem:$0x3F8A];
	_ =	swait.ge [sflag:s4], $0x0  }
0x19: {  	s7 =	sld [smem:$0x3F8B]  }
0x1a: {  	s8 =	sadd.s32 $0xFFFFE003, lr  }
0x1b: {  	s9 =	sadd.s32 $0xFFFFFEF7, lr;
	s5 =	simm.s32 $0xFFFFFFFF;
	p2 =	slt.u32 s8, $0xFFFFF086  }
0x1c: {  	p1 =	slt.u32 s9, $0xF7A;
	s5 =	simm.s32 @!p2 $0x0  }
0x1d: {  	s5 =	simm.s32 @p1 $0x1;
	p0 =	seq.s32 s7, s2  }
0x1e: {  	s7 =	smul.u32 @!p0 $0xF7A, s2;
	p2 =	seq.s32 @!p0 s5, $0x0  }
0x1f: {  	s9 =	smul.u32 $0xF7A, s1;
	s8 =	simm.s32 @!p0 $0x1BF5;
	p2 =	por !p2, p0  }
0x20: {  	[sflag:s8] =	ssyncset.s32 @!p0 $0xFFFFF086;
	s6 =	sadd.s32 @!p0 s3, s7;
	s7 =	simm.s32 @!p0 $0x108  }
0x21: {  	s3 =	sadd.s32 s3, s9;
	s6 =	sadd.s32 @!p0 $0x88, s6;
	s7 =	simm.s32 @p2 $0x1082  }
0x22: {  	[simem:s7], [sflag:s8] =	dma.local @!p0 [hbm:s6], $0xF7A  }
0x23: {  	s9 =	sor.u32 $0xD0000000, s2;
	s6 =	simm.s32 $0x108;
	_ =	swait.ge @!p0 [sflag:s8], $0x0  }
0x24: {  	s3 =	sadd.s32 $0x88, s3;
	s6 =	simm.s32 @!p1 $0x1082;
	[sflag:s4] =	ssyncset.s32 $0xFFFFF086  }
0x25: {  	[simem:s6], [sflag:s4] =	dma.local [hbm:s3], $0xF7A  }
0x26: {  	[smem:$0x3F8B] =	sst s1;
	(tag) =	ssettag s2;
	_ =	strace s9  }
0x27: {  	s1 =	sld [smem:$0x3F9B]  }
0x28: {  	s2 =	sld [smem:$0x3F9C]  }
0x29: {  	s4 =	sld [smem:$0x3F9E]  }
0x2a: {  	p0 =	seq.s32 s5, $0x0;
	s5 =	sld [smem:$0x3F9F]  }
0x2b: {  	s6 =	sld [smem:$0x3FA0]  }
0x2c: {  	s7 =	sld [smem:$0x3FA1]  }
0x2d: {  	s3 =	simm.s32 $0x108;
	s8 =	sld [smem:$0x3FA2]  }
0x2e: {  	s3 =	simm.s32 @!p0 $0x1082;
	s9 =	sld [smem:$0x3FA3]  }
0x2f: {  	lr =	sadd.s32 s0, s3;
	s0 =	sld [smem:$0x3F9A]  }
0x30: {  	s3 =	sld [smem:$0x3F9D]  }
0x31: {  	[smem:$0x3FA6] =	sst s10  }
0x32: {  	s10 =	sld [smem:$0x3FA4];
	_ =	sdelay $0x3  }
0x33: {  	p0 =	seq.s32 s10, $0x1;
	s10 =	sld [smem:$0x3FA6];
	_ =	sdelay $0x3  }
0x34: {  	[smem:$0x3FA6] =	sst s10  }
0x35: {  	s10 =	sld [smem:$0x3FA5];
	_ =	sdelay $0x3  }
0x36: {  	p1 =	seq.s32 s10, $0x1;
	s10 =	sld [smem:$0x3FA6];
	_ =	sdelay $0x3  }
0x37: {  	[smem:$0x3FA6] =	sst s10  }
0x38: {  	s10 =	sld [smem:$0x3FA7]  }
0x39: {  	_ = 	snop;
	(pc) =	sbr.ind lr, $3  }
0x3a: {  	_ = 	snop  }
0x3b: {  	_ = 	snop  }
0x3c: {  	p2 =	seq.s32 s10, $0x1;
	s10 =	sld [smem:$0x3FA6]  }
0x3d: {  	_ =	shalt  }
0x3e: {  	_ =	shalt  }
0x3f: {  	_ =	shalt  }
0x40: {  	_ =	shalt  }
0x41: {  	_ =	shalt  }
0x42: {  	_ =	shalt  }
0x43: {  	_ =	shalt  }
0x44: {  	_ =	shalt  }
0x45: {  	_ =	shalt  }
0x46: {  	_ =	shalt  }
0x47: {  	_ =	shalt  }
0x48: {  	_ =	shalt  }
0x49: {  	_ =	shalt  }
0x4a: {  	_ =	shalt  }
0x4b: {  	_ =	shalt  }
0x4c: {  	_ =	shalt  }
0x4d: {  	_ =	shalt  }
0x4e: {  	_ =	shalt  }
0x4f: {  	_ =	shalt  }
0x50: {  	_ =	shalt  }
0x51: {  	_ =	shalt  }
0x52: {  	_ =	shalt  }
0x53: {  	_ =	shalt  }
0x54: {  	_ =	shalt  }
0x55: {  	_ =	shalt  }
0x56: {  	_ =	shalt  }
0x57: {  	_ =	shalt  }
0x58: {  	_ =	shalt  }
0x59: {  	_ =	shalt  }
0x5a: {  	_ =	shalt  }
0x5b: {  	_ =	shalt  }
0x5c: {  	_ =	shalt  }
0x5d: {  	_ =	shalt  }
0x5e: {  	_ =	shalt  }
0x5f: {  	_ =	shalt  }
0x60: {  	_ =	shalt  }
0x61: {  	_ =	shalt  }
0x62: {  	_ =	shalt  }
0x63: {  	_ =	shalt  }
0x64: {  	_ =	shalt  }
0x65: {  	_ =	shalt  }
0x66: {  	_ =	shalt  }
0x67: {  	_ =	shalt  }
0x68: {  	_ =	shalt  }
0x69: {  	_ =	shalt  }
0x6a: {  	_ =	shalt  }
0x6b: {  	_ =	shalt  }
0x6c: {  	_ =	shalt  }
0x6d: {  	_ =	shalt  }
0x6e: {  	_ =	shalt  }
0x6f: {  	_ =	shalt  }
0x70: {  	_ =	shalt  }
0x71: {  	_ =	shalt  }
0x72: {  	_ =	shalt  }
0x73: {  	_ =	shalt  }
0x74: {  	_ =	shalt  }
0x75: {  	_ =	shalt  }
0x76: {  	_ =	shalt  }
0x77: {  	_ =	shalt  }
0x78: {  	_ =	shalt  }
0x79: {  	_ =	shalt  }
0x7a: {  	_ =	shalt  }
0x7b: {  	_ =	shalt  }
0x7c: {  	_ =	shalt  }
0x7d: {  	_ =	shalt  }
0x7e: {  	_ =	shalt  }
0x7f: {  	_ =	shalt  }
0x80: {  	_ =	shalt  }
0x81: {  	_ =	shalt  }
0x82: {  	_ =	shalt  }
0x83: {  	_ =	shalt  }
0x84: {  	_ =	shalt  }
0x85: {  	_ =	shalt  }
0x86: {  	_ =	shalt  }
0x87: {  	_ =	shalt  }
.Lfunc_end0:
.L_simem_size_0:
called_computation_lowered:
.L_overlay_start_0:
0x88: {  	s2 =	sld [smem:$0x3FD9]  }
0x89: {  	s3 =	sld [smem:$0x3FFE];
	_ =	sdelay $0x1  }
0x8a: {  	s1 =	srdreg.scid  }
0x8b: {  	s0 =	sand.u32 $0x1, s1  }
0x8c: {  	s14 =	sshll.u32 s0, $0xA;
	s2 =	sadd.s32 s3, s2  }
0x8d: {  	s2 =	sadd.s32 s2, s14  }
0x8e: {  	[smem:$0x3FB2] =	sst s2  }
0x8f: {  	_ = 	snop  }
0x90: {  	s2 =	sld [smem:$0x3FD0];
	_ =	sdelay $0x2  }
0x91: {  	s15 =	simm.s32 $0xA;
	s4 =	simm.s32 $0x10  }
0x92: {  	[smem:s4], [sflag:s15] =	dma.local [hbm:s2], $0x1  }
0x93: {  	_ =	swait.eq [sflag:s15], $0x1  }
0x94: {  	[sflag:s15] =	ssyncset.done $0x0  }
0x95: {  	[sflag:s15] =	ssyncadd.s32 $0xFFFFFFFF  }
0x96: {  	s16 =	sld [smem:$0x11];
	(tm) =	ssettm $0x1  }
0x97: {  	s17 =	sld [smem:$0x3FFB];
	_ =	sdelay $0x3  }
0x98: {  	_ =	strace s17  }
0x99: {  	s3 =	sld [smem:$0x3FFC];
	_ =	sdelay $0x3  }
0x9a: {  	_ =	strace s3  }
0x9b: {  	s3 =	sld [smem:$0x3FFD];
	_ =	sdelay $0x3  }
0x9c: {  	_ =	strace s3  }
0x9d: {  	_ =	strace $0x8FFFFFFF  }
0x9e: {  	s18 =	sld [smem:$0x3FDB];
	_ =	sdelay $0x1  }
0x9f: {  	s19 =	simm.s32 $_scs_section_size  }
0xa0: {  	s5 =	simm.s32 $_size__tile_overlayer_lowered;
	s6 =	simm.s32 $_tile_overlayer_lowered  }
0xa1: {  	s22 =	simm.s32 $0x1BFF;
	s21 =	sshll.u32 s6, $0x1;
	s3 =	sadd.s32 s19, s18  }
0xa2: {  	s7 =	simm.s32 $0x0;
	s20 =	sshll.u32 s5, $0x1;
	s5 =	sadd.s32 s21, s3  }
0xa3: {  	[timem:s7], [sflag:s22] =	dma.local [hbm:s5], s20  }
0xa4: {  	_ =	swait.ge [sflag:s22], s20  }
0xa5: {  	s4 =	ssub.s32 $0x0, s20;
	[sflag:s22] =	ssyncset.done $0x0  }
0xa6: {  	[sflag:s22] =	ssyncadd.s32 s4;
	_ =	sdelay $0x1  }
0xa7: {  	s23 =	simm.s32 $0x1B8B  }
0xa8: {  	_ =	swait.ge [sflag:s23], $0x1  }
0xa9: {  	[sflag:s23] =	ssyncset.done $0x0  }
0xaa: {  	s25 =	simm.s32 $0x1B8E;
	s24 =	sld [smem:$0x3FFE];
	[sflag:s23] =	ssyncadd.s32 $0xFFFFFFFF  }
0xab: {  	s26 =	simm.s32 $execute0_lowered;
	[smem:$0x3FD2] =	sst s25  }
0xac: {  	s5 =	sshll.u32 s26, $0x1;
	_ =	strace $0x80000046;
	[dreg:$0x1] =	wrdreg $0xFFFFFFFF  }
0xad: {  	s28 =	simm.s32 $_size_execute0_lowered;
	s3 =	sadd.s32 s3, s5;
	[dreg:$0x0] =	wrdreg $0x0  }
0xae: {  	s5 =	sshll.u32 s28, $0x1;
	[dreg:$0x2] =	wrdreg s3  }
0xaf: {  	[dreg:$0x3] =	wrdreg s5  }
0xb0: {  	[dreg:$0x4] =	wrdreg $0xC0  }
0xb1: {  	_ =	task [dreg:s7], $0x5FFFF  }
0xb2: {  	[dreg:$0x1] =	wrdreg $0xFFFFFFFF  }
0xb3: {  	[dreg:$0x0] =	wrdreg $0x60  }
0xb4: {  	[dreg:$0x2] =	wrdreg s24  }
0xb5: {  	[dreg:$0x3] =	wrdreg s16  }
0xb6: {  	[dreg:$0x4] =	wrdreg $0x9  }
0xb7: {  	_ =	task.clear_ibuf [dreg:s7], $0x5FFFF;
	_ =	strace $0x90000046  }
0xb8: {  	s29 =	simm.s32 $0x9;
	_ =	strace $0x80000048  }
0xb9: {  	_ =	swait.ge [sflag:s29], $0x1  }
0xba: {  	[sflag:s29] =	ssyncadd.s32 $0xFFFFFFFF  }
0xbb: {  	_ =	strace $0x90000048  }
0xbc: {  	_ =	sfence  }
0xbd: {  	s30 =	sld [smem:$0x0];
	_ =	sdelay $0x2  }
0xbe: {  	s31 =	sshll.u32 s1, $0xD;
	s1 =	sshrl.u32 s1, $0x2  }
0xbf: {  	s3 =	sand.u32 $0x4000, s31;
	s1 =	sadd.s32 s1, s30  }
0xc0: {  	s0 =	sor.u32 s3, s0;
	s1 =	sshll.u32 s1, $0x11  }
0xc1: {  	s0 =	sor.u32 s1, s0  }
0xc2: {  	s0 =	sadd.s32 $0x8F2B, s0  }
0xc3: {  	[sflag:s0] =	ssyncadd.remote.s32 $0x1  }
0xc4: {  	_ =	sfence.sel $0xFFFF  }
0xc5: {  	[dreg:$0x0] =	wrdreg $0xFFFFFFFF;
	(pc) =	sbr.abs _section_cstart, $3  }
0xc6: {  	[dreg:$0x1] =	wrdreg $0xFFFFFFFF  }
0xc7: {  	_ =	task.clear_ibuf [dreg:s7], $0x2FFFF;
	_ =	strace $0x9FFFFFFF  }
0xc8: {  	(tm) =	ssettm $0x7FFFFFFF  }
0xc9: {  	_ =	shalt  }
tec
execute0_lowered:
.L_overlay_start_1:
0x0: {  	(tag) =	ssettag $0x1  }
0x1: {  	s3 =	rddreg [dreg:$0x0]  }
0x2: {  	s4 =	rddreg [dreg:$0x1];
	s1 =	srdreg.scid  }
0x3: {  	s2 =	simm.s32 $0x0;
	s10 =	simm.s32 $0x4080;
	s11 =	simm.s32 $0x8080  }
0x4: {  	s12 =	simm.s32 $0x0;
	s5 =	sand.u32 $0x1, s1;
	[smem:$0x7FF] =	sst s2  }
0x5: {  	s1 =	stileid.u32;
	s6 =	sshll.u32 s5, $0x4;
	_ =	strace $0x80000047  }
0x6: {  	s5 =	ssub.s32 $0x2, s5;
	s8 =	sshll.u32 s1, $0x4;
	s6 =	sor.u32 s1, s6  }
0x7: {  	s29 =	sshrl.u32 s5, $0x1;
	s31 =	sand.u32 $0x70, s8;
	s8 =	simm.s32 $0x1  }
0x8: {  	s7 =	sshll.u32 s6, $0xB;
	s9 =	ssub.s32 s5, s29;
	s30 =	sshll.u32 s6, $0x4  }
0x9: {  	s4 =	sadd.s32 s4, s31;
	s7 =	sadd.s32 s7, s3;
	s5 =	sand.u32 $0x180, s30  }
0xa: {  	v0 =	vlaneseq.u32;
	s3 =	sadd.s32 $0x3A00, s7;
	s4 =	sadd.s32 s5, s4;
	s5 =	sadd.s32 $0x13A00, s7  }
0xb: {  	vm0 =	vmmov $0x1;
	v1 =	vor.u32 $0x80000000, v0;
	s6 =	sadd.s32 $0x23A00, s7;
	s7 =	smax.u32 s9, $0x1;
	s9 =	simm.s32 $0x4000  }
.LBB2_1:
0xc: {  	[tilespmem:s2], [sflag:$0x1] =	stream.linear.gather [hbm4b:s3+s2], $0x4000, $0x38;
	[tilespmem:$0xC080] =	vst v63  }
0xd: {  	_ =	swait.ge [sflag:s8], $0x4000  }
0xe: {  	[sflag:s8] =	ssyncset.done $0x0  }
0xf: {  	[sflag:s8] =	ssyncadd.s32 $0xFFFFC000  }
0x10: {  	[tilespmem:s9], [sflag:$0x1] =	stream.linear.gather [hbm4b:s4+s2], $0x80, $0x38;
	[tilespmem:$0xC080] =	vst v63  }
0x11: {  	_ =	swait.ge [sflag:s8], $0x80  }
0x12: {  	[sflag:s8] =	ssyncset.done $0x0  }
0x13: {  	[sflag:s8] =	ssyncadd.s32 $0xFFFFFF80  }
0x14: {  	v2 =	vld [tilespmem:$0x4000];
	_ =	sdelay $0x4  }
0x15: {  	v3 =	vmul.f32 $1.500000000e+00, v2;
	_ =	sdelay $0x1  }
0x16: {  	v3 =	vadd.f32 $5.000000000e-01, v3;
	_ =	sdelay $0x1  }
0x17: {  	(erf) = vrcp.f32 v3;
	_ =	sdelay $0x3  }
0x18: {  	s13 =	simm.s32 $0x0  }
0x19: {  	v3 =	vld [tilespmem:s13+$0x0];
	_ =	sdelay $0x3  }
0x1a: {  	v7 =	vpop (erf)  }
0x1b: {  	v3 =	vmul.f32 v3, v7;
	_ =	sdelay $0x1  }
0x1c: {  	(xrf0) =	vmax.scan.msk.f32 $0xffff, v3;
	_ =	sdelay $0x5  }
0x1d: {  	v4, _, _ =	vpop (xrf0)  }
0x1e: {  	v4 =	vbroadcast v4, $0xF;
	_ =	sdelay $0x1  }
0x1f: {  	v3 =	vsub.f32 v3, v4;
	_ =	sdelay $0x1  }
0x20: {  	v3 =	vmul.f32 $1.442695020e+00, v3;
	_ =	sdelay $0x1  }
0x21: {  	s14 =	simm.s32 $0x80;
	(erf) = vpow2.f32 v3  }
0x22: {  	v3 =	vld [tilespmem:s14+$0x0];
	_ =	sdelay $0x4  }
0x23: {  	v3 =	vmul.f32 v3, v7;
	_ =	sdelay $0x1  }
0x24: {  	(xrf0) =	vmax.scan.msk.f32 $0xffff, v3  }
0x25: {  	v4 =	vpop (erf)  }
0x26: {  	(xrf2) =	vadd.scan.msk.f32 $0xffff, v4;
	_ =	sdelay $0x3  }
0x27: {  	v5, _, _ =	vpop (xrf0)  }
0x28: {  	v5 =	vbroadcast v5, $0xF;
	_ =	sdelay $0x1  }
0x29: {  	v3 =	vsub.f32 v3, v5;
	_ =	sdelay $0x1  }
0x2a: {  	v3 =	vmul.f32 $1.442695020e+00, v3  }
0x2b: {  	v5, _, _ =	vpop (xrf2)  }
0x2c: {  	(erf) = vpow2.f32 v3;
	v3 =	vbroadcast v5, $0xF  }
0x2d: {  	s15 =	simm.s32 $0x100  }
0x2e: {  	v5 =	vld [tilespmem:s15+$0x0];
	(erf) = vrcp.f32 v3;
	_ =	sdelay $0x4  }
0x2f: {  	v3 =	vmul.f32 v5, v7;
	_ =	sdelay $0x1  }
0x30: {  	(xrf0) =	vmax.scan.msk.f32 $0xffff, v3  }
0x31: {  	v5 =	vpop (erf)  }
0x32: {  	(xrf2) =	vadd.scan.msk.f32 $0xffff, v5;
	v6 =	vpop (erf)  }
0x33: {  	v4 =	vmul.f32 v6, v4;
	_ =	sdelay $0x1  }
0x34: {  	v4 =	vmul.f32 $8.500000230e-01, v4  }
0x35: {  	v6, _, _ =	vpop (xrf0)  }
0x36: {  	v6 =	vbroadcast v6, $0xF;
	v8 =	vadd.f32 $9.375000370e-03, v4  }
0x37: {  	vm1 =	veq.s32 v0, $0x0  }
0x38: {  	s16 =	simm.s32 $0x180;
	v3 =	vsub.f32 v3, v6;
	v6 =	vsel vm1, $0x0, v8  }
0x39: {  	v4 =	vld [tilespmem:s16+$0x0];
	(xrf2) =	vadd.scan.msk.f32 $0xffff, v6  }
0x3a: {  	v3 =	vmul.f32 $1.442695020e+00, v3  }
0x3b: {  	v6, _, _ =	vpop (xrf2)  }
0x3c: {  	(erf) = vpow2.f32 v3;
	v3 =	vbroadcast v6, $0xF;
	_ =	sdelay $0x1  }
0x3d: {  	v4 =	vmul.f32 v4, v7;
	(erf) = vrcp.f32 v3;
	_ =	sdelay $0x1  }
0x3e: {  	(xrf0) =	vmax.scan.msk.f32 $0xffff, v4;
	_ =	sdelay $0x2  }
0x3f: {  	v3, _, _ =	vpop (xrf2)  }
0x40: {  	(v2sf) =	vpush v3, $0xF  }
0x41: {  	v6 =	vpop (erf)  }
0x42: {  	v3, _, _ =	vpop (xrf0)  }
0x43: {  	v9 =	vpop (erf)  }
0x44: {  	(xrf2) =	vadd.scan.msk.f32 $0xffff, v6;
	v3 =	vbroadcast v3, $0xF;
	v5 =	vmul.f32 v9, v5;
	_ =	sdelay $0x1  }
0x45: {  	s17 =	simm.s32 $0x200;
	v3 =	vsub.f32 v4, v3;
	v4 =	vmul.f32 $8.500000230e-01, v5  }
0x46: {  	v5 =	vld [tilespmem:s17+$0x0]  }
0x47: {  	v3 =	vmul.f32 $1.442695020e+00, v3;
	v9 =	vadd.f32 $9.375000370e-03, v4;
	_ =	sdelay $0x1  }
0x48: {  	(erf) = vpow2.f32 v3;
	v3 =	vsel vm1, $0x0, v9  }
0x49: {  	(xrf2) =	vadd.scan.msk.f32 $0xffff, v3  }
0x4a: {  	v4 =	vmul.f32 v5, v7;
	_ =	sdelay $0x1  }
0x4b: {  	v3, _, _ =	vpop (xrf2);
	(xrf0) =	vmax.scan.msk.f32 $0xffff, v4  }
0x4c: {  	v3 =	vbroadcast v3, $0xF;
	s18 =	spop (v2sf)  }
0x4d: {  	s18 =	smax.f32 s18, $9.999999930e-09  }
0x4e: {  	(erf) = vrcp.f32 v3;
	v3 =	vmov s18;
	_ =	sdelay $0x1  }
0x4f: {  	v10 =	vpop (erf)  }
0x50: {  	(erf) = vrcp.f32 v3;
	v3, _, _ =	vpop (xrf0)  }
0x51: {  	v5, _, _ =	vpop (xrf2)  }
0x52: {  	v3 =	vbroadcast v3, $0xF;
	(v2sf) =	vpush v5, $0xF;
	_ =	sdelay $0x1  }
0x53: {  	(xrf2) =	vadd.scan.msk.f32 $0xffff, v10;
	v3 =	vsub.f32 v4, v3;
	_ =	sdelay $0x1  }
0x54: {  	v3 =	vmul.f32 $1.442695020e+00, v3  }
0x55: {  	v5 =	vmul.f32 $1.000000010e-01, v2;
	v2 =	vpop (erf)  }
0x56: {  	s18 =	simm.s32 $0x280;
	v4 =	vmul.f32 v2, v6  }
0x57: {  	v11 =	vld [tilespmem:s18+$0x0];
	v2 =	vadd.f32 $1.000000010e-01, v5;
	(erf) = vpow2.f32 v3  }
0x58: {  	v6 =	vmul.f32 $8.500000230e-01, v4;
	v3 =	vpop (erf)  }
0x59: {  	v4 =	vsub.f32 $1.000000000e+00, v2;
	v3 =	vmul.f32 v3, v8  }
0x5a: {  	v6 =	vadd.f32 $9.375000370e-03, v6  }
0x5b: {  	v12 =	vmul.f32 v3, v4  }
0x5c: {  	v11 =	vmul.f32 v11, v7;
	v8 =	vsel vm1, $0x0, v6;
	v3 =	vadd.f32 $5.000000000e-01, v5;
	v5, _, _ =	vpop (xrf2)  }
0x5d: {  	(xrf2) =	vadd.scan.msk.f32 $0xffff, v8;
	v8 =	vbroadcast v5, $0xF;
	v5 =	vsel vm0, v2, v12  }
0x5e: {  	(xrf0) =	vmax.scan.msk.f32 $0xffff, v11;
	v12 =	vmin.f32 v5, v3  }
0x5f: {  	(erf) = vrcp.f32 v8;
	v8 =	vsub.f32 v3, v12;
	s19 =	spop (v2sf)  }
0x60: {  	v13 =	vpop (erf);
	s19 =	smax.f32 s19, $9.999999930e-09  }
0x61: {  	(xrf2) =	vadd.scan.msk.f32 $0xffff, v13;
	v14 =	vmax.f32 v8, $0.0e+00;
	v8 =	vmov s19;
	_ =	sdelay $0x1  }
0x62: {  	(xrf2) =	vadd.scan.msk.f32 $0xffff, v14;
	(erf) = vrcp.f32 v8  }
0x63: {  	v8, _, _ =	vpop (xrf0)  }
0x64: {  	v8 =	vbroadcast v8, $0xF;
	_ =	sdelay $0x1  }
0x65: {  	v8 =	vsub.f32 v11, v8  }
0x66: {  	v15, _, _ =	vpop (xrf2)  }
0x67: {  	(v2sf) =	vpush v15, $0xF;
	v8 =	vmul.f32 $1.442695020e+00, v8  }
0x68: {  	s19 =	simm.s32 $0x300;
	v15 =	vpop (erf)  }
0x69: {  	v10 =	vmul.f32 v15, v10;
	v11 =	vld [tilespmem:s19+$0x0];
	v15, _, _ =	vpop (xrf2)  }
0x6a: {  	v16 =	vpop (erf)  }
0x6b: {  	(erf) = vpow2.f32 v8;
	v8, _, _ =	vpop (xrf2)  }
0x6c: {  	v10 =	vmul.f32 $8.500000230e-01, v10;
	(v2sf) =	vpush v8, $0xF;
	v8 =	vmul.f32 v16, v9;
	_ =	sdelay $0x1  }
0x6d: {  	v10 =	vadd.f32 $9.375000370e-03, v10;
	v11 =	vmul.f32 v11, v7;
	v8 =	vmul.f32 v8, v4;
	_ =	sdelay $0x1  }
0x6e: {  	v9 =	vsel vm1, $0x0, v10;
	(xrf0) =	vmax.scan.msk.f32 $0xffff, v11;
	v8 =	vsel vm0, v2, v8  }
0x6f: {  	(xrf2) =	vadd.scan.msk.f32 $0xffff, v9;
	v9 =	vmin.f32 v8, v3  }
0x70: {  	v16 =	vsub.f32 v3, v9  }
0x71: {  	v15 =	vbroadcast v15, $0xF;
	_ =	sdelay $0x1  }
0x72: {  	(erf) = vrcp.f32 v15;
	v17 =	vpop (erf)  }
0x73: {  	s20 =	spop (v2sf);
	(xrf2) =	vadd.scan.msk.f32 $0xffff, v17;
	v15 =	vmax.f32 v16, $0.0e+00;
	v16, _, _ =	vpop (xrf0)  }
0x74: {  	s20 =	smax.f32 s20, $9.999999930e-09;
	(xrf2) =	vadd.scan.msk.f32 $0xffff, v15;
	v16 =	vbroadcast v16, $0xF  }
0x75: {  	v19 =	vsub.f32 v5, v12;
	v18 =	vmov s20  }
0x76: {  	(erf) = vrcp.f32 v18  }
0x77: {  	(xrf2) =	vadd.scan.msk.f32 $0xffff, v19;
	v11 =	vsub.f32 v11, v16  }
0x78: {  	v16, _, _ =	vpop (xrf2)  }
0x79: {  	v11 =	vmul.f32 $1.442695020e+00, v11;
	s29 =	spop (v2sf);
	(v2sf) =	vpush v16, $0xF  }
0x7a: {  	s21 =	smax.f32 s29, $9.999999930e-09  }
0x7b: {  	s20 =	simm.s32 $0x380;
	v16 =	vpop (erf);
	(erf) = vpow2.f32 v11;
	v11 =	vmov s21  }
0x7c: {  	v18 =	vld [tilespmem:s20+$0x0];
	(erf) = vrcp.f32 v11;
	v11 =	vmul.f32 v16, v13  }
0x7d: {  	v13, _, _ =	vpop (xrf2)  }
0x7e: {  	v16, _, _ =	vpop (xrf2);
	v11 =	vmul.f32 $8.500000230e-01, v11  }
0x7f: {  	v19 =	vpop (erf)  }
0x80: {  	(v2sf) =	vpush v16, $0xF;
	v6 =	vmul.f32 v19, v6;
	v11 =	vadd.f32 $9.375000370e-03, v11  }
0x81: {  	v18 =	vmul.f32 v18, v7;
	v16, _, _ =	vpop (xrf2)  }
0x82: {  	v19 =	vbroadcast v16, $0xF;
	v6 =	vmul.f32 v6, v4;
	v16 =	vsel vm1, $0x0, v11  }
0x83: {  	v13 =	vbroadcast v13, $0xF;
	(xrf2) =	vadd.scan.msk.f32 $0xffff, v16  }
0x84: {  	(xrf0) =	vmax.scan.msk.f32 $0xffff, v18;
	v16 =	vsel vm0, v2, v6;
	v6 =	vmul.f32 v19, v14;
	v21 =	vpop (erf)  }
0x85: {  	v14 =	vpop (erf);
	(erf) = vrcp.f32 v13  }
0x86: {  	v19 =	vmin.f32 v16, v3;
	v6 =	vmul.f32 v14, v6  }
0x87: {  	v13 =	vsub.f32 v3, v19  }
0x88: {  	s30 =	spop (v2sf)  }
0x89: {  	(xrf2) =	vadd.scan.msk.f32 $0xffff, v21;
	v22 =	vmax.f32 v13, $0.0e+00;
	v12 =	vadd.f32 v6, v12;
	s21 =	smax.f32 s30, $9.999999930e-09  }
0x8a: {  	v14 =	vsub.f32 v8, v9;
	(xrf2) =	vadd.scan.msk.f32 $0xffff, v22;
	v6, _, _ =	vpop (xrf0);
	v13 =	vmov s21  }
0x8b: {  	(xrf0) =	vmax.scan.msk.f32 $0xffff, v12;
	v6 =	vbroadcast v6, $0xF;
	_ =	sdelay $0x1  }
0x8c: {  	(erf) = vrcp.f32 v13;
	v6 =	vsub.f32 v18, v6;
	v13, _, _ =	vpop (xrf2)  }
0x8d: {  	(xrf2) =	vadd.scan.msk.f32 $0xffff, v14;
	v14 =	vpop (erf)  }
0x8e: {  	s31 =	spop (v2sf);
	v6 =	vmul.f32 $1.442695020e+00, v6;
	(v2sf) =	vpush v13, $0xF;
	v13 =	vmul.f32 v14, v17  }
0x8f: {  	s22 =	smax.f32 s31, $9.999999930e-09  }
0x90: {  	v14, _, _ =	vpop (xrf0);
	(erf) = vpow2.f32 v6;
	v6 =	vmov s22;
	v13 =	vmul.f32 $8.500000230e-01, v13  }
0x91: {  	s21 =	simm.s32 $0x400;
	(erf) = vrcp.f32 v6;
	v6 =	vbroadcast v14, $0xF  }
0x92: {  	v17 =	vld [tilespmem:s21+$0x0];
	v14, _, _ =	vpop (xrf2)  }
0x93: {  	v18, _, _ =	vpop (xrf2);
	vm2 =	veq.f32 v12, v6  }
0x94: {  	v25 =	vadd.f32 $9.375000370e-03, v13;
	(v2sf) =	vpush v18, $0xF;
	v18 =	vnsel vm2, $0x80000010, v1  }
0x95: {  	v13 =	vpop (erf)  }
0x96: {  	v10 =	vmul.f32 v13, v10;
	(xrf0) =	vmin.scan.msk.u32 $0xffff, v18;
	v13 =	vsel vm1, $0x0, v25  }
0x97: {  	v17 =	vmul.f32 v17, v7;
	v18, _, _ =	vpop (xrf2);
	(xrf2) =	vadd.scan.msk.f32 $0xffff, v13  }
0x98: {  	v13 =	vbroadcast v18, $0xF  }
0x99: {  	(xrf0) =	vmax.scan.msk.f32 $0xffff, v17;
	v10 =	vmul.f32 v10, v4  }
0x9a: {  	v18 =	vbroadcast v14, $0xF  }
0x9b: {  	v26 =	vpop (erf);
	v14 =	vsel vm0, v2, v10;
	v10 =	vmul.f32 v13, v15  }
0x9c: {  	v20 =	vmin.f32 v14, v3;
	v13 =	vpop (erf);
	(erf) = vrcp.f32 v18  }
0x9d: {  	v15 =	vsub.f32 v3, v20;
	v10 =	vmul.f32 v13, v10;
	v13, _, _ =	vpop (xrf0)  }
0x9e: {  	(v2sf) =	vpush v13, $0xF  }
0x9f: {  	(xrf2) =	vadd.scan.msk.f32 $0xffff, v26;
	v18 =	vmax.f32 v15, $0.0e+00;
	v27 =	vadd.f32 v10, v9;
	v9, _, _ =	vpop (xrf0)  }
0xa0: {  	s0 =	spop (v2sf);
	(xrf2) =	vadd.scan.msk.f32 $0xffff, v18;
	v9 =	vbroadcast v9, $0xF  }
0xa1: {  	s22 =	smax.f32 s0, $9.999999930e-09;
	v13 =	vsub.f32 v16, v19;
	(xrf0) =	vmax.scan.msk.f32 $0xffff, v27;
	v15, _, _ =	vpop (xrf2)  }
0xa2: {  	v10 =	vmov s22;
	v9 =	vsub.f32 v17, v9;
	(v2sf) =	vpush v15, $0xF  }
0xa3: {  	(erf) = vrcp.f32 v10  }
0xa4: {  	(xrf2) =	vadd.scan.msk.f32 $0xffff, v13;
	s23 =	spop (v2sf);
	v9 =	vmul.f32 $1.442695020e+00, v9  }
0xa5: {  	s22 =	smax.f32 s23, $9.999999930e-09;
	v10 =	vpop (erf)  }
0xa6: {  	v10 =	vmul.f32 v10, v21;
	(erf) = vpow2.f32 v9;
	v9 =	vmov s22  }
0xa7: {  	v13, _, _ =	vpop (xrf0);
	(erf) = vrcp.f32 v9  }
0xa8: {  	s22 =	simm.s32 $0x480;
	v9 =	vbroadcast v13, $0xF;
	v10 =	vmul.f32 $8.500000230e-01, v10  }
0xa9: {  	v13 =	vld [tilespmem:s22+$0x0]  }
0xaa: {  	v17, _, _ =	vpop (xrf2);
	vm2 =	veq.f32 v27, v9  }
0xab: {  	v21, _, _ =	vpop (xrf2);
	v23 =	vnsel vm2, $0x80000010, v1  }
0xac: {  	v15 =	vadd.f32 $9.375000370e-03, v10;
	v10 =	vpop (erf);
	(xrf0) =	vmin.scan.msk.u32 $0xffff, v23  }
0xad: {  	(v2sf) =	vpush v21, $0xF;
	v10 =	vmul.f32 v10, v11;
	s23 =	spop (v2sf)  }
0xae: {  	v17 =	vbroadcast v17, $0xF;
	v11 =	vsel vm1, $0x0, v15;
	v21 =	vmul.f32 v13, v7;
	v13, _, _ =	vpop (xrf2);
	s23 =	sxor.u32 $0x80000000, s23  }
0xaf: {  	(xrf2) =	vadd.scan.msk.f32 $0xffff, v11;
	v11 =	vbroadcast v13, $0xF;
	v10 =	vmul.f32 v10, v4;
	v13 =	vmov s23  }
0xb0: {  	v28 =	vpop (erf);
	vm2 =	veq.s32 v13, v0  }
0xb1: {  	(xrf0) =	vmax.scan.msk.f32 $0xffff, v21;
	v11 =	vmul.f32 v11, v22;
	v22 =	vpop (erf);
	v13 =	vsel vm0, v2, v10;
	v12 =	vsel vm2, $0xF149F2CA, v12;
	s24 =	spop (v2sf)  }
0xb2: {  	(erf) = vrcp.f32 v17;
	v10 =	vmin.f32 v13, v3;
	v17, _, _ =	vpop (xrf0);
	(xrf0) =	vmax.scan.msk.f32 $0xffff, v12;
	s23 =	smax.f32 s24, $9.999999930e-09  }
0xb3: {  	v11 =	vmul.f32 v22, v11;
	(v2sf) =	vpush v17, $0xF;
	v17 =	vmov s23  }
0xb4: {  	(xrf2) =	vadd.scan.msk.f32 $0xffff, v28;
	v23 =	vsub.f32 v3, v10;
	(erf) = vrcp.f32 v17;
	v17 =	vsub.f32 v14, v20;
	_ =	sdelay $0x1  }
0xb5: {  	v24 =	vmax.f32 v23, $0.0e+00  }
0xb6: {  	v22 =	vadd.f32 v11, v19;
	v11, _, _ =	vpop (xrf0);
	(xrf2) =	vadd.scan.msk.f32 $0xffff, v24  }
0xb7: {  	v11 =	vbroadcast v11, $0xF;
	(xrf2) =	vadd.scan.msk.f32 $0xffff, v17;
	v17, _, _ =	vpop (xrf0)  }
0xb8: {  	(xrf0) =	vmax.scan.msk.f32 $0xffff, v22;
	v19, _, _ =	vpop (xrf2);
	v23 =	vbroadcast v17, $0xF  }
0xb9: {  	v11 =	vsub.f32 v21, v11;
	(v2sf) =	vpush v19, $0xF  }
0xba: {  	vm3 =	veq.f32 v12, v23  }
0xbb: {  	s25 =	spop (v2sf);
	v11 =	vmul.f32 $1.442695020e+00, v11;
	v17 =	vnsel vm3, $0x80000010, v1  }
0xbc: {  	s23 =	simm.s32 $0x500;
	s24 =	smax.f32 s25, $9.999999930e-09;
	v12 =	vpop (erf);
	(xrf0) =	vmin.scan.msk.u32 $0xffff, v17  }
0xbd: {  	v21 =	vld [tilespmem:s23+$0x0];
	v19, _, _ =	vpop (xrf2);
	v12 =	vmul.f32 v12, v26;
	(erf) = vpow2.f32 v11;
	v11 =	vmov s24  }
0xbe: {  	(erf) = vrcp.f32 v11;
	v17, _, _ =	vpop (xrf0)  }
0xbf: {  	v26 =	vpop (erf);
	v12 =	vmul.f32 $8.500000230e-01, v12;
	v11 =	vbroadcast v17, $0xF  }
0xc0: {  	v25 =	vmul.f32 v26, v25;
	v17, _, _ =	vpop (xrf2)  }
0xc1: {  	(v2sf) =	vpush v17, $0xF;
	v17 =	vadd.f32 $9.375000370e-03, v12;
	vm3 =	veq.f32 v22, v11  }
0xc2: {  	v21 =	vmul.f32 v21, v7;
	v25 =	vmul.f32 v25, v4;
	s26 =	spop (v2sf);
	v26 =	vnsel vm3, $0x80000010, v1;
	v29, _, _ =	vpop (xrf0)  }
0xc3: {  	v12 =	vbroadcast v19, $0xF;
	v19, _, _ =	vpop (xrf2);
	s24 =	sxor.u32 $0x80000000, s26;
	(xrf0) =	vmin.scan.msk.u32 $0xffff, v26;
	(v2sf) =	vpush v29, $0xF;
	v29 =	vsel vm1, $0x0, v17  }
0xc4: {  	v19 =	vbroadcast v19, $0xF;
	v26 =	vmov s24  }
0xc5: {  	(erf) = vrcp.f32 v12;
	v12 =	vsel vm0, v2, v25;
	(xrf0) =	vmax.scan.msk.f32 $0xffff, v21;
	vm3 =	veq.s32 v26, v0  }
0xc6: {  	v19 =	vmul.f32 v19, v18;
	v18 =	vmin.f32 v12, v3;
	(xrf2) =	vadd.scan.msk.f32 $0xffff, v29;
	v27 =	vsel vm3, $0xF149F2CA, v27;
	v29 =	vpop (erf)  }
0xc7: {  	v26 =	vsub.f32 v3, v18;
	(xrf0) =	vmax.scan.msk.f32 $0xffff, v27;
	v25 =	vpop (erf)  }
0xc8: {  	s29 =	spop (v2sf);
	v25 =	vmul.f32 v25, v19  }
0xc9: {  	s24 =	smax.f32 s29, $9.999999930e-09;
	v19 =	vmax.f32 v26, $0.0e+00;
	v30, _, _ =	vpop (xrf0)  }
0xca: {  	(xrf2) =	vadd.scan.msk.f32 $0xffff, v29;
	v25 =	vadd.f32 v25, v20;
	v20 =	vmov s24;
	(v2sf) =	vpush v30, $0xF  }
0xcb: {  	(xrf2) =	vadd.scan.msk.f32 $0xffff, v19;
	v26, _, _ =	vpop (xrf0)  }
0xcc: {  	v26 =	vbroadcast v26, $0xF;
	(xrf0) =	vmax.scan.msk.f32 $0xffff, v25  }
0xcd: {  	v30 =	vsub.f32 v13, v10;
	(erf) = vrcp.f32 v20;
	v20, _, _ =	vpop (xrf0)  }
0xce: {  	v21 =	vsub.f32 v21, v26;
	v26 =	vbroadcast v20, $0xF  }
0xcf: {  	(xrf2) =	vadd.scan.msk.f32 $0xffff, v30;
	v20 =	vpop (erf)  }
0xd0: {  	v20 =	vmul.f32 v20, v28;
	v21 =	vmul.f32 $1.442695020e+00, v21;
	vm4 =	veq.f32 v27, v26  }
0xd1: {  	s24 =	simm.s32 $0x580;
	s30 =	spop (v2sf);
	v27, _, _ =	vpop (xrf2);
	v28 =	vnsel vm4, $0x80000010, v1  }
0xd2: {  	s25 =	smax.f32 s30, $9.999999930e-09;
	v20 =	vmul.f32 $8.500000230e-01, v20;
	(erf) = vpow2.f32 v21;
	(v2sf) =	vpush v27, $0xF;
	v30, _, _ =	vpop (xrf0)  }
0xd3: {  	v21 =	vmov s25;
	v27 =	vld [tilespmem:s24+$0x0];
	vm4 =	vmmov vm2;
	(xrf0) =	vmin.scan.msk.u32 $0xffff, v28;
	s31 =	spop (v2sf);
	v28 =	vbroadcast v30, $0xF  }
0xd4: {  	(erf) = vrcp.f32 v21;
	vm4 =	vmmov vm4;
	v30, _, _ =	vpop (xrf2);
	v21 =	vadd.f32 $9.375000370e-03, v20;
	s25 =	sxor.u32 $0x80000000, s31  }
0xd5: {  	v31 =	vmov s25;
	v33, _, _ =	vpop (xrf2);
	v30 =	vbroadcast v30, $0xF;
	vm5 =	veq.f32 v25, v28  }
0xd6: {  	v20 =	vpop (erf);
	v32 =	vsel vm1, $0x0, v21;
	v34 =	vnsel vm5, $0x80000010, v1;
	vm5 =	veq.s32 v31, v0  }
0xd7: {  	(v2sf) =	vpush v33, $0xF;
	(xrf2) =	vadd.scan.msk.f32 $0xffff, v32;
	v15 =	vmul.f32 v20, v15;
	vm4 =	vmor vm4, vm5  }
0xd8: {  	v27 =	vmul.f32 v27, v7;
	(erf) = vrcp.f32 v30;
	(xrf0) =	vmin.scan.msk.u32 $0xffff, v34;
	v5 =	vnsel vm4, $0x0, v5  }
0xd9: {  	v20, _, _ =	vpop (xrf2);
	s0 =	spop (v2sf);
	(xrf2) =	vadd.scan.msk.f32 $0xffff, v5  }
0xda: {  	v20 =	vbroadcast v20, $0xF;
	v31, _, _ =	vpop (xrf0);
	v15 =	vmul.f32 v15, v4;
	(xrf0) =	vmax.scan.msk.f32 $0xffff, v27;
	s25 =	sxor.u32 $0x80000000, s0  }
0xdb: {  	(v2sf) =	vpush v31, $0xF;
	v31 =	vmov s25  }
0xdc: {  	v24 =	vmul.f32 v20, v24;
	v30 =	vpop (erf);
	v15 =	vsel vm0, v2, v15;
	vm4 =	veq.s32 v31, v0  }
0xdd: {  	v20 =	vmin.f32 v15, v3;
	v48 =	vpop (erf);
	v49 =	vsel vm4, $0xF149F2CA, v22  }
0xde: {  	v23 =	vnsel vm5, $0x0, v23;
	v31 =	vsub.f32 v3, v20;
	v24 =	vmul.f32 v48, v24;
	v50, _, _ =	vpop (xrf0);
	(xrf0) =	vmax.scan.msk.f32 $0xffff, v49  }
0xdf: {  	(v2sf) =	vpush v50, $0xF  }
0xe0: {  	v6 =	vnsel vm2, $0x0, v6;
	(xrf2) =	vadd.scan.msk.f32 $0xffff, v30;
	v24 =	vadd.f32 v24, v10;
	v10, _, _ =	vpop (xrf0)  }
0xe1: {  	v6 =	vadd.f32 v23, v6;
	v10 =	vbroadcast v10, $0xF;
	v23 =	vpop (erf);
	s26 =	spop (v2sf)  }
0xe2: {  	v22 =	vmax.f32 v31, $0.0e+00;
	(xrf0) =	vmax.scan.msk.f32 $0xffff, v24;
	v31, _, _ =	vpop (xrf2);
	v23 =	vmul.f32 v23, v29;
	s25 =	smax.f32 s26, $9.999999930e-09  }
0xe3: {  	v51 =	vsub.f32 v12, v18;
	(xrf2) =	vadd.scan.msk.f32 $0xffff, v22;
	v10 =	vsub.f32 v27, v10;
	v52 =	vmov s25;
	v27, _, _ =	vpop (xrf2)  }
0xe4: {  	(v2sf) =	vpush v31, $0xF;
	v23 =	vmul.f32 $8.500000230e-01, v23;
	(erf) = vrcp.f32 v52;
	v29, _, _ =	vpop (xrf0)  }
0xe5: {  	(xrf2) =	vadd.scan.msk.f32 $0xffff, v51;
	(v2sf) =	vpush v27, $0xF;
	v27 =	vmul.f32 $1.442695020e+00, v10;
	v10 =	vbroadcast v29, $0xF  }
0xe6: {  	s26 =	spop (v2sf)  }
0xe7: {  	[tilespmem:s13+$0x4080] =	vst v6;
	s25 =	simm.s32 $0x600;
	v23 =	vadd.f32 $9.375000370e-03, v23;
	s26 =	smax.f32 s26, $9.999999930e-09;
	vm5 =	veq.f32 v49, v10  }
0xe8: {  	v6, _, _ =	vpop (xrf0);
	(erf) = vpow2.f32 v27;
	v27 =	vld [tilespmem:s25+$0x0];
	v29 =	vmov s26;
	v31 =	vnsel vm5, $0x80000010, v1  }
0xe9: {  	v6 =	vbroadcast v6, $0xF;
	(erf) = vrcp.f32 v29;
	(xrf0) =	vmin.scan.msk.u32 $0xffff, v31;
	v31 =	vsel vm1, $0x0, v23  }
0xea: {  	v53, _, _ =	vpop (xrf2);
	s28 =	spop (v2sf);
	(xrf2) =	vadd.scan.msk.f32 $0xffff, v31  }
0xeb: {  	vm2 =	vmmov vm3;
	s29 =	sxor.u32 $0x80000000, s28;
	vm5 =	veq.f32 v24, v6  }
0xec: {  	vm2 =	vmmov vm2;
	v29 =	vmov s29;
	v55 =	vnsel vm5, $0x80000010, v1  }
0xed: {  	v54, _, _ =	vpop (xrf2);
	vm5 =	veq.s32 v29, v0;
	v29 =	vbroadcast v53, $0xF;
	v31 =	vmul.f32 v27, v7;
	(xrf0) =	vmin.scan.msk.u32 $0xffff, v55  }
0xee: {  	(v2sf) =	vpush v54, $0xF;
	vm2 =	vmor vm2, vm5;
	v27 =	vpop (erf);
	s30 =	spop (v2sf)  }
0xef: {  	v8 =	vnsel vm2, $0x0, v8;
	(erf) = vrcp.f32 v29;
	v17 =	vmul.f32 v27, v17;
	(xrf0) =	vmax.scan.msk.f32 $0xffff, v31;
	v27, _, _ =	vpop (xrf2);
	s26 =	sxor.u32 $0x80000000, s30  }
0xf0: {  	v9 =	vnsel vm3, $0x0, v9;
	(xrf2) =	vadd.scan.msk.f32 $0xffff, v8;
	v57 =	vbroadcast v27, $0xF;
	v29 =	vmov s26;
	v56, _, _ =	vpop (xrf0)  }
0xf1: {  	v17 =	vmul.f32 v17, v4;
	v27 =	vpop (erf);
	vm3 =	veq.s32 v29, v0;
	(v2sf) =	vpush v56, $0xF  }
0xf2: {  	v59 =	vpop (erf);
	v29 =	vsel vm3, $0xF149F2CA, v25  }
0xf3: {  	s31 =	spop (v2sf);
	v19 =	vmul.f32 v57, v19;
	v25 =	vnsel vm5, $0x0, v26;
	v17 =	vsel vm0, v2, v17;
	v58, _, _ =	vpop (xrf0);
	(xrf0) =	vmax.scan.msk.f32 $0xffff, v29  }
0xf4: {  	s26 =	smax.f32 s31, $9.999999930e-09;
	v26 =	vadd.f32 v25, v9;
	v25 =	vmin.f32 v17, v3;
	v9 =	vnsel vm3, $0x0, v28;
	s28 =	spop (v2sf);
	v61, _, _ =	vpop (xrf2);
	(xrf2) =	vadd.scan.msk.f32 $0xffff, v27  }
0xf5: {  	v19 =	vmul.f32 v59, v19;
	v35 =	vmov s26;
	v60 =	vsub.f32 v3, v25;
	v28, _, _ =	vpop (xrf0);
	s28 =	smax.f32 s28, $9.999999930e-09  }
0xf6: {  	(v2sf) =	vpush v58, $0xF;
	v37 =	vbroadcast v28, $0xF;
	v36 =	vmov s28  }
0xf7: {  	[tilespmem:s14+$0x4080] =	vst v26;
	v26 =	vadd.f32 v19, v18;
	v28 =	vmax.f32 v60, $0.0e+00;
	(erf) = vrcp.f32 v36  }
0xf8: {  	v18 =	vpop (erf);
	(xrf2) =	vadd.scan.msk.f32 $0xffff, v28;
	(erf) = vrcp.f32 v35  }
0xf9: {  	v62 =	vsub.f32 v15, v20;
	v63 =	vmul.f32 v18, v30;
	v18, _, _ =	vpop (xrf0);
	(xrf0) =	vmax.scan.msk.f32 $0xffff, v26  }
0xfa: {  	(v2sf) =	vpush v61, $0xF;
	v19 =	vsub.f32 v31, v37;
	v31, _, _ =	vpop (xrf2)  }
0xfb: {  	v11 =	vnsel vm4, $0x0, v11;
	(xrf2) =	vadd.scan.msk.f32 $0xffff, v62;
	(v2sf) =	vpush v31, $0xF  }
0xfc: {  	vm2 =	vmmov vm4;
	v30 =	vmul.f32 $1.442695020e+00, v19;
	v18 =	vbroadcast v18, $0xF  }
0xfd: {  	vm2 =	vmmov vm2;
	s26 =	simm.s32 $0x1A00;
	vm3 =	vmmov vm3;
	v31 =	vmul.f32 $8.500000230e-01, v63;
	s28 =	spop (v2sf)  }
.LBB2_2:
0xfe: {  	p0 =	sne.s32 s26, $0xFE00;
	(erf) = vpow2.f32 v30;
	v30, _, _ =	vpop (xrf2);
	s29 =	smax.f32 s28, $9.999999930e-09;
	vm4 =	veq.f32 v29, v18;
	v19 =	vmov v18  }
0xff: {  	s28 =	sshra.s32 s26, $0x2;
	v18 =	vadd.f32 $9.375000370e-03, v31;
	v36 =	vmov s29;
	v31, _, _ =	vpop (xrf0);
	v32 =	vnsel vm4, $0x80000010, v1  }
0x100: {  	v33 =	vld [tilespmem:s28+$0x0];
	(erf) = vrcp.f32 v36;
	(xrf0) =	vmin.scan.msk.u32 $0xffff, v32;
	s29 =	spop (v2sf);
	v29 =	vpop (erf)  }
0x101: {  	v31 =	vbroadcast v31, $0xF;
	v35 =	vsel vm1, $0x0, v18;
	v34 =	vpop (erf);
	s29 =	sxor.u32 $0x80000000, s29;
	v29 =	vmul.f32 v29, v5  }
0x102: {  	v30 =	vbroadcast v30, $0xF;
	v5 =	vmov v8;
	(xrf2) =	vadd.scan.msk.f32 $0xffff, v35;
	v32, _, _ =	vpop (xrf2);
	v35 =	vmov s29  }
0x103: {  	v34 =	vmul.f32 v34, v21;
	vm4 =	veq.f32 v26, v31;
	vm5 =	veq.s32 v35, v0;
	[tilespmem:s13+$0x8080] =	vst v29;
	s13 =	smov.u32 s14;
	s14 =	smov.u32 s15;
	s15 =	smov.u32 s16  }
0x104: {  	v21 =	vmovc v23;
	v23 =	vmovc v18;
	v8 =	vnsel vm4, $0x80000010, v1;
	s16 =	smov.u32 s17;
	s17 =	smov.u32 s18;
	s18 =	smov.u32 s19;
	(v2sf) =	vpush v32, $0xF;
	vm2 =	vmor vm2, vm5  }
0x105: {  	s19 =	smov.u32 s20;
	s20 =	smov.u32 s21;
	s21 =	smov.u32 s22;
	v10 =	vnsel vm5, $0x0, v10;
	v18 =	vmul.f32 v33, v7;
	v29, _, _ =	vpop (xrf2);
	(xrf0) =	vmin.scan.msk.u32 $0xffff, v8;
	v8 =	vnsel vm2, $0x0, v16  }
0x106: {  	s22 =	smov.u32 s23;
	s23 =	smov.u32 s24;
	v10 =	vadd.f32 v10, v11;
	(erf) = vrcp.f32 v30;
	v30 =	vmul.f32 v34, v4;
	s29 =	spop (v2sf);
	v16, _, _ =	vpop (xrf0);
	(xrf2) =	vadd.scan.msk.f32 $0xffff, v8  }
0x107: {  	s24 =	smov.u32 s25;
	s25 =	smov.u32 s28;
	v11 =	vbroadcast v29, $0xF;
	(xrf0) =	vmax.scan.msk.f32 $0xffff, v18;
	v32 =	vpop (erf);
	s29 =	sxor.u32 $0x80000000, s29;
	(v2sf) =	vpush v16, $0xF;
	v16 =	vmov v14  }
0x108: {  	v14 =	vmovc v13;
	v13 =	vmovc v12;
	v12 =	vmov v15;
	v30 =	vsel vm0, v2, v30;
	v29 =	vmov s29;
	[tilespmem:s14+$0x4080] =	vst v10  }
0x109: {  	v11 =	vmul.f32 v11, v22;
	s28 =	spop (v2sf);
	v10 =	vmin.f32 v30, v3;
	v15 =	vpop (erf);
	vm4 =	veq.s32 v29, v0  }
0x10a: {  	(xrf2) =	vadd.scan.msk.f32 $0xffff, v32;
	v22 =	vsub.f32 v3, v10;
	v29 =	vsel vm4, $0xF149F2CA, v24;
	v24 =	vnsel vm4, $0x0, v6;
	s29 =	spop (v2sf);
	v6 =	vmovc v31  }
0x10b: {  	s28 =	smax.f32 s28, $9.999999930e-09;
	v11 =	vmul.f32 v15, v11;
	v15 =	vmov v17;
	v17 =	vmov v30;
	v31, _, _ =	vpop (xrf0);
	(xrf0) =	vmax.scan.msk.f32 $0xffff, v29;
	s29 =	smax.f32 s29, $9.999999930e-09  }
0x10c: {  	v33 =	vmov s28;
	v30, _, _ =	vpop (xrf2);
	v34 =	vmax.f32 v22, $0.0e+00;
	v22 =	vmov s29  }
0x10d: {  	v36 =	vadd.f32 v11, v20;
	v35, _, _ =	vpop (xrf0);
	(v2sf) =	vpush v31, $0xF;
	(erf) = vrcp.f32 v22  }
0x10e: {  	v20 =	vmovc v25;
	v25 =	vmov v10;
	v35 =	vbroadcast v35, $0xF;
	(erf) = vrcp.f32 v33;
	(xrf2) =	vadd.scan.msk.f32 $0xffff, v34  }
.Ltmp0:
0x10f: {  	v31 =	vsub.f32 v15, v20;
	v11 =	vmov v9;
	v9 =	vmov v24;
	v10 =	vpop (erf);
	(xrf0) =	vmax.scan.msk.f32 $0xffff, v36;
	(pc) =	sbr.rel @p0 .LBB2_2-.Ltmp0, $4  }
0x110: {  	v22 =	vmov v28;
	v18 =	vsub.f32 v18, v35;
	(v2sf) =	vpush v30, $0xF;
	v24, _, _ =	vpop (xrf2)  }
0x111: {  	v33 =	vmul.f32 v10, v27;
	v27 =	vmov v32;
	(xrf2) =	vadd.scan.msk.f32 $0xffff, v31;
	v28, _, _ =	vpop (xrf0);
	(v2sf) =	vpush v24, $0xF  }
0x112: {  	v24 =	vmovc v26;
	v26 =	vmovc v36;
	v30 =	vmul.f32 $1.442695020e+00, v18;
	v18 =	vbroadcast v28, $0xF;
	v28 =	vmov v34  }
0x113: {  	s26 =	sadd.s32 $0x200, s26;
	vm2 =	vmmov vm3;
	vm3 =	vmmov vm4;
	v10 =	vmovc v19;
	v31 =	vmul.f32 $8.500000230e-01, v33;
	s28 =	spop (v2sf)  }
0x114: {  	_ =	sdelay $0x2  }
0x115: {  	vm1 =	veq.f32 v29, v18  }
0x116: {  	v32, _, _ =	vpop (xrf2);
	s26 =	smax.f32 s28, $9.999999930e-09;
	(erf) = vpow2.f32 v30;
	v7 =	vnsel vm1, $0x80000010, v1  }
0x117: {  	v29 =	vadd.f32 $9.375000370e-03, v31;
	v54, _, _ =	vpop (xrf0);
	v55 =	vmov s26;
	v57 =	vbroadcast v32, $0xF  }
0x118: {  	vm6 =	veq.s32 v0, $0x0;
	(xrf0) =	vmin.scan.msk.u32 $0xffff, v7;
	s28 =	spop (v2sf);
	v19 =	vpop (erf);
	(erf) = vrcp.f32 v55;
	v7 =	vbroadcast v54, $0xF  }
0x119: {  	v59 =	vimm.s32 $0x0;
	v56 =	vsel vm6, $0x0, v29;
	v33 =	vpop (erf);
	s26 =	sxor.u32 $0x80000000, s28;
	(erf) = vrcp.f32 v57  }
0x11a: {  	v58, _, _ =	vpop (xrf2);
	v34 =	vmov s26;
	v21 =	vmul.f32 v33, v21;
	vm1 =	veq.f32 v26, v7;
	s29 =	spop (v2sf)  }
0x11b: {  	vm4 =	veq.s32 v34, v0;
	(v2sf) =	vpush v58, $0xF;
	v60 =	vnsel vm1, $0x80000010, v1;
	s26 =	sxor.u32 $0x80000000, s29  }
0x11c: {  	(xrf2) =	vadd.scan.msk.f32 $0xffff, v56;
	v33 =	vsel vm4, $0xFFFFFFFF, v59;
	vm1 =	vmor vm2, vm4;
	v61 =	vmov s26  }
0x11d: {  	(xrf0) =	vmin.scan.msk.u32 $0xffff, v60;
	v21 =	vmul.f32 v21, v4;
	v16 =	vnsel vm1, $0x0, v16;
	vm15 =	veq.s32 v61, v0  }
0x11e: {  	[tilespmem:$0x1FF90] =	vst v33;
	v63, _, _ =	vpop (xrf2);
	v33 =	vimm.s32 $0x0;
	(xrf2) =	vadd.scan.msk.f32 $0xffff, v16;
	v32 =	vsel vm15, $0xF149F2CA, v24  }
0x11f: {  	v62, _, _ =	vpop (xrf0);
	v24 =	vsel vm15, $0xFFFFFFFF, v33;
	(xrf0) =	vmax.scan.msk.f32 $0xffff, v32  }
0x120: {  	v31 =	vbroadcast v63, $0xF;
	(v2sf) =	vpush v62, $0xF;
	[tilespmem:$0x1FFA0] =	vst v24;
	v24 =	vsel vm0, v2, v21  }
0x121: {  	v36 =	vpop (erf);
	v30 =	vmin.f32 v24, v3  }
0x122: {  	v34 =	vmul.f32 v31, v22;
	v35 =	vpop (erf);
	v37 =	vsub.f32 v3, v30  }
0x123: {  	(xrf2) =	vadd.scan.msk.f32 $0xffff, v36;
	v38, _, _ =	vpop (xrf0)  }
0x124: {  	s30 =	spop (v2sf);
	v21 =	vmul.f32 v35, v34;
	(v2sf) =	vpush v38, $0xF;
	v34 =	vmax.f32 v37, $0.0e+00  }
0x125: {  	(xrf2) =	vadd.scan.msk.f32 $0xffff, v34;
	v39, _, _ =	vpop (xrf0)  }
0x126: {  	v35 =	vadd.f32 v21, v20;
	v20 =	vbroadcast v39, $0xF  }
0x127: {  	s31 =	spop (v2sf);
	s26 =	smax.f32 s30, $9.999999930e-09;
	v43 =	vpop (erf)  }
0x128: {  	v44 =	vsub.f32 v17, v25;
	s28 =	smax.f32 s31, $9.999999930e-09;
	v42 =	vmov s26;
	v40, _, _ =	vpop (xrf2);
	(xrf0) =	vmax.scan.msk.f32 $0xffff, v35;
	vm1 =	veq.f32 v32, v20  }
0x129: {  	v41 =	vmov s28;
	(v2sf) =	vpush v40, $0xF;
	v45, _, _ =	vpop (xrf2);
	v46 =	vnsel vm1, $0x80000010, v1  }
0x12a: {  	v22 =	vmul.f32 v43, v27;
	(erf) = vrcp.f32 v41;
	(v2sf) =	vpush v45, $0xF;
	(xrf0) =	vmin.scan.msk.u32 $0xffff, v46  }
0x12b: {  	(erf) = vrcp.f32 v42;
	(xrf2) =	vadd.scan.msk.f32 $0xffff, v44  }
0x12c: {  	v47 =	vmul.f32 $8.500000230e-01, v22;
	s0 =	spop (v2sf)  }
0x12d: {  	v50, _, _ =	vpop (xrf2);
	s26 =	smax.f32 s0, $9.999999930e-09  }
0x12e: {  	v33 =	vadd.f32 $9.375000370e-03, v47;
	v48 =	vmov s26;
	v49, _, _ =	vpop (xrf0)  }
0x12f: {  	(erf) = vrcp.f32 v48;
	s28 =	spop (v2sf);
	v21 =	vbroadcast v49, $0xF;
	v52, _, _ =	vpop (xrf2)  }
0x130: {  	v51 =	vsel vm6, $0x0, v33;
	v27 =	vbroadcast v50, $0xF;
	s26 =	sxor.u32 $0x80000000, s28;
	(v2sf) =	vpush v52, $0xF;
	v55, _, _ =	vpop (xrf0)  }
0x131: {  	v53 =	vmov s26;
	vm2 =	veq.f32 v35, v21;
	(v2sf) =	vpush v55, $0xF  }
0x132: {  	(xrf2) =	vadd.scan.msk.f32 $0xffff, v51;
	vm1 =	vmmov vm3;
	vm3 =	veq.s32 v53, v0;
	v56 =	vnsel vm2, $0x80000010, v1  }
0x133: {  	v22 =	vpop (erf);
	vm1 =	vmor vm1, vm3;
	(xrf0) =	vmin.scan.msk.u32 $0xffff, v56;
	s29 =	spop (v2sf)  }
0x134: {  	(erf) = vrcp.f32 v27;
	v57 =	vpop (erf);
	v14 =	vnsel vm1, $0x0, v14;
	s26 =	sxor.u32 $0x80000000, s29  }
0x135: {  	v54 =	vimm.s32 $0x0;
	v23 =	vmul.f32 v57, v23;
	v58, _, _ =	vpop (xrf2);
	(xrf2) =	vadd.scan.msk.f32 $0xffff, v14;
	v60 =	vmov s26  }
0x136: {  	v32 =	vsel vm3, $0xFFFFFFFF, v54;
	v59 =	vbroadcast v58, $0xF;
	vm3 =	veq.s32 v60, v0  }
0x137: {  	v23 =	vmul.f32 v23, v4;
	v63 =	vsel vm3, $0xF149F2CA, v26  }
0x138: {  	s30 =	spop (v2sf);
	v61 =	vmul.f32 v59, v28;
	v62 =	vpop (erf);
	(xrf0) =	vmax.scan.msk.f32 $0xffff, v63  }
0x139: {  	v27 =	vsel vm0, v2, v23;
	s31 =	spop (v2sf);
	v43, _, _ =	vpop (xrf0)  }
0x13a: {  	[tilespmem:$0x1FFB0] =	vst v32;
	v32 =	vmin.f32 v27, v3;
	v23 =	vmul.f32 v62, v61;
	s28 =	smax.f32 s31, $9.999999930e-09;
	(v2sf) =	vpush v43, $0xF  }
0x13b: {  	s26 =	smax.f32 s30, $9.999999930e-09;
	v37 =	vsub.f32 v3, v32;
	v45 =	vmov s28  }
0x13c: {  	v38, _, _ =	vpop (xrf2);
	v44 =	vmov s26;
	v39 =	vadd.f32 v23, v25;
	(erf) = vrcp.f32 v45  }
0x13d: {  	v46 =	vpop (erf);
	(erf) = vrcp.f32 v44  }
0x13e: {  	v47 =	vsub.f32 v24, v30;
	v40 =	vmax.f32 v37, $0.0e+00;
	v49 =	vmul.f32 v46, v36;
	(xrf0) =	vmax.scan.msk.f32 $0xffff, v39;
	v50, _, _ =	vpop (xrf0)  }
0x13f: {  	(xrf2) =	vadd.scan.msk.f32 $0xffff, v40;
	(v2sf) =	vpush v38, $0xF;
	v48, _, _ =	vpop (xrf2);
	s0 =	spop (v2sf)  }
0x140: {  	(xrf2) =	vadd.scan.msk.f32 $0xffff, v47;
	v51 =	vmul.f32 $8.500000230e-01, v49;
	v23 =	vbroadcast v50, $0xF;
	(v2sf) =	vpush v48, $0xF;
	s29 =	spop (v2sf)  }
0x141: {  	v56 =	vimm.s32 $0x0;
	vm1 =	vmmov vm15;
	s28 =	sxor.u32 $0x80000000, s29  }
0x142: {  	v37 =	vadd.f32 $9.375000370e-03, v51;
	vm2 =	veq.f32 v63, v23;
	v53 =	vmov s28  }
0x143: {  	vm1 =	vmmov vm1;
	v55 =	vnsel vm2, $0x80000010, v1;
	s26 =	smax.f32 s0, $9.999999930e-09;
	vm2 =	veq.s32 v53, v0  }
0x144: {  	v57 =	vsel vm6, $0x0, v37;
	v54, _, _ =	vpop (xrf0);
	(xrf0) =	vmin.scan.msk.u32 $0xffff, v55;
	v52 =	vmov s26;
	v25 =	vsel vm2, $0xFFFFFFFF, v56  }
0x145: {  	v26 =	vpop (erf);
	(erf) = vrcp.f32 v52;
	vm1 =	vmor vm1, vm2;
	[tilespmem:$0x1FFD0] =	vst v25;
	v25 =	vbroadcast v54, $0xF  }
0x146: {  	(xrf2) =	vadd.scan.msk.f32 $0xffff, v57;
	v58 =	vpop (erf);
	v13 =	vnsel vm1, $0x0, v13  }
0x147: {  	v28 =	vmul.f32 v58, v29;
	(xrf2) =	vadd.scan.msk.f32 $0xffff, v13;
	vm1 =	veq.f32 v39, v25  }
0x148: {  	v60 =	vnsel vm1, $0x80000010, v1  }
0x149: {  	v42 =	vimm.s32 $0x0;
	v59, _, _ =	vpop (xrf2);
	v28 =	vmul.f32 v28, v4;
	s30 =	spop (v2sf);
	(xrf0) =	vmin.scan.msk.u32 $0xffff, v60  }
0x14a: {  	v31 =	vsel vm3, $0xFFFFFFFF, v42;
	(v2sf) =	vpush v59, $0xF;
	v61, _, _ =	vpop (xrf2);
	s26 =	sxor.u32 $0x80000000, s30  }
0x14b: {  	[tilespmem:$0x1FFC0] =	vst v31;
	v29 =	vbroadcast v61, $0xF;
	v63, _, _ =	vpop (xrf0);
	v31 =	vsel vm0, v2, v28;
	v62 =	vmov s26  }
0x14c: {  	(v2sf) =	vpush v63, $0xF;
	v36 =	vmin.f32 v31, v3;
	vm2 =	veq.s32 v62, v0  }
0x14d: {  	v29 =	vmul.f32 v29, v34;
	v41 =	vsub.f32 v3, v36;
	v35 =	vsel vm2, $0xF149F2CA, v35  }
0x14e: {  	s31 =	spop (v2sf);
	v43 =	vpop (erf);
	(xrf0) =	vmax.scan.msk.f32 $0xffff, v35  }
0x14f: {  	v42 =	vimm.s32 $0x0;
	s0 =	spop (v2sf);
	v41 =	vmax.f32 v41, $0.0e+00;
	v28 =	vmul.f32 v43, v29;
	v44, _, _ =	vpop (xrf0)  }
0x150: {  	v49 =	vsub.f32 v27, v32;
	v45, _, _ =	vpop (xrf2);
	v38 =	vsel vm2, $0xFFFFFFFF, v42;
	s28 =	smax.f32 s0, $9.999999930e-09;
	(xrf2) =	vadd.scan.msk.f32 $0xffff, v41;
	(v2sf) =	vpush v44, $0xF  }
0x151: {  	s26 =	smax.f32 s31, $9.999999930e-09;
	v46 =	vmov s28;
	v42 =	vadd.f32 v28, v30;
	v47, _, _ =	vpop (xrf2);
	(v2sf) =	vpush v45, $0xF  }
0x152: {  	v48 =	vmov s26;
	(erf) = vrcp.f32 v46;
	(v2sf) =	vpush v47, $0xF  }
0x153: {  	(erf) = vrcp.f32 v48;
	(xrf0) =	vmax.scan.msk.f32 $0xffff, v42  }
0x154: {  	(xrf2) =	vadd.scan.msk.f32 $0xffff, v49;
	v50, _, _ =	vpop (xrf0)  }
0x155: {  	v28 =	vbroadcast v50, $0xF;
	_ =	sdelay $0x1  }
0x156: {  	vm1 =	veq.f32 v35, v28  }
0x157: {  	v51 =	vnsel vm1, $0x80000010, v1  }
0x158: {  	s28 =	spop (v2sf);
	v52, _, _ =	vpop (xrf0);
	(xrf0) =	vmin.scan.msk.u32 $0xffff, v51  }
0x159: {  	s26 =	smax.f32 s28, $9.999999930e-09;
	v54, _, _ =	vpop (xrf2);
	v29 =	vbroadcast v52, $0xF  }
0x15a: {  	v53 =	vmov s26;
	s29 =	spop (v2sf);
	v30 =	vpop (erf);
	(v2sf) =	vpush v54, $0xF  }
0x15b: {  	(erf) = vrcp.f32 v53;
	s26 =	sxor.u32 $0x80000000, s29;
	v55 =	vpop (erf);
	vm1 =	veq.f32 v42, v29  }
0x15c: {  	v57 =	vmov s26;
	v33 =	vmul.f32 v55, v33;
	v56 =	vnsel vm1, $0x80000010, v1  }
0x15d: {  	v59 =	vimm.s32 $0x0;
	v60, _, _ =	vpop (xrf2);
	vm1 =	vmmov vm3;
	vm3 =	veq.s32 v57, v0;
	(xrf0) =	vmin.scan.msk.u32 $0xffff, v56  }
0x15e: {  	v33 =	vmul.f32 v33, v4;
	v35 =	vsel vm3, $0xFFFFFFFF, v59;
	v58, _, _ =	vpop (xrf0);
	s30 =	spop (v2sf)  }
0x15f: {  	vm1 =	vmmov vm1;
	[tilespmem:$0x1FFF0] =	vst v35;
	v35 =	vbroadcast v60, $0xF;
	(v2sf) =	vpush v58, $0xF;
	s31 =	spop (v2sf)  }
0x160: {  	vm1 =	vmor vm1, vm3;
	v34 =	vsel vm0, v2, v33;
	s29 =	spop (v2sf)  }
0x161: {  	[tilespmem:$0x1FFE0] =	vst v38;
	v12 =	vnsel vm1, $0x0, v12;
	v38 =	vmin.f32 v34, v3;
	v35 =	vmul.f32 v35, v40;
	s26 =	sxor.u32 $0x80000000, s30;
	s0 =	smax.f32 s29, $9.999999930e-09  }
0x162: {  	v43 =	vsub.f32 v3, v38;
	v61 =	vmov s26;
	s28 =	smax.f32 s31, $9.999999930e-09;
	v62 =	vmov s0  }
0x163: {  	v46, _, _ =	vpop (xrf0);
	vm8 =	veq.s32 v61, v0;
	v44 =	vmov s28;
	(erf) = vrcp.f32 v62  }
0x164: {  	v63 =	vpop (erf);
	(xrf2) =	vadd.scan.msk.f32 $0xffff, v12;
	(v2sf) =	vpush v46, $0xF;
	v39 =	vsel vm8, $0xF149F2CA, v39;
	(erf) = vrcp.f32 v44  }
0x165: {  	v47 =	vsub.f32 v31, v36;
	v45 =	vmul.f32 v63, v35;
	v40 =	vmax.f32 v43, $0.0e+00;
	(xrf0) =	vmax.scan.msk.f32 $0xffff, v39  }
0x166: {  	(xrf2) =	vadd.scan.msk.f32 $0xffff, v40  }
0x167: {  	v43 =	vadd.f32 v45, v32;
	(xrf2) =	vadd.scan.msk.f32 $0xffff, v47;
	_ =	sdelay $0x1  }
0x168: {  	(xrf0) =	vmax.scan.msk.f32 $0xffff, v43;
	s28 =	spop (v2sf)  }
0x169: {  	s26 =	smax.f32 s28, $9.999999930e-09  }
0x16a: {  	v49 =	vmov s26;
	v48, _, _ =	vpop (xrf0)  }
0x16b: {  	(erf) = vrcp.f32 v49;
	v33 =	vpop (erf)  }
0x16c: {  	v50 =	vpop (erf)  }
0x16d: {  	vm1 =	vmmov vm2;
	v51, _, _ =	vpop (xrf2);
	v32 =	vbroadcast v48, $0xF;
	s29 =	spop (v2sf);
	v35 =	vmul.f32 v50, v37  }
0x16e: {  	vm1 =	vmmov vm1;
	(v2sf) =	vpush v51, $0xF;
	v52, _, _ =	vpop (xrf0);
	s26 =	sxor.u32 $0x80000000, s29  }
0x16f: {  	v45, _, _ =	vpop (xrf2);
	vm2 =	veq.f32 v39, v32;
	v46 =	vmov s26;
	v35 =	vmul.f32 v35, v4  }
0x170: {  	v53, _, _ =	vpop (xrf2);
	v39 =	vnsel vm2, $0x80000010, v1;
	vm9 =	veq.s32 v46, v0;
	v4 =	vbroadcast v52, $0xF  }
0x171: {  	(xrf0) =	vmin.scan.msk.u32 $0xffff, v39;
	vm1 =	vmor vm1, vm9;
	v37 =	vbroadcast v53, $0xF;
	v35 =	vsel vm0, v2, v35  }
0x172: {  	s30 =	spop (v2sf);
	v2 =	vnsel vm1, $0x0, v15;
	vm1 =	veq.f32 v43, v4;
	v44 =	vmin.f32 v35, v3  }
0x173: {  	v54 =	vmul.f32 v37, v41;
	s26 =	sxor.u32 $0x80000000, s30;
	(xrf2) =	vadd.scan.msk.f32 $0xffff, v2;
	v55 =	vnsel vm1, $0x80000010, v1;
	v3 =	vsub.f32 v3, v44  }
0x174: {  	(v2sf) =	vpush v45, $0xF;
	v56 =	vpop (erf);
	v57 =	vmov s26;
	(xrf0) =	vmin.scan.msk.u32 $0xffff, v55  }
0x175: {  	v15 =	vmul.f32 v56, v54;
	vm10 =	veq.s32 v57, v0;
	v41 =	vmax.f32 v3, $0.0e+00  }
0x176: {  	v37 =	vsel vm10, $0xF149F2CA, v42;
	(xrf2) =	vadd.scan.msk.f32 $0xffff, v41  }
0x177: {  	v42 =	vadd.f32 v15, v36;
	(xrf0) =	vmax.scan.msk.f32 $0xffff, v37;
	v3, _, _ =	vpop (xrf0)  }
0x178: {  	(v2sf) =	vpush v3, $0xF  }
0x179: {  	(xrf0) =	vmax.scan.msk.f32 $0xffff, v42  }
0x17a: {  	v3, _, _ =	vpop (xrf0)  }
0x17b: {  	(v2sf) =	vpush v3, $0xF;
	v3 =	vsub.f32 v34, v38;
	_ =	sdelay $0x1  }
0x17c: {  	v59, _, _ =	vpop (xrf0)  }
0x17d: {  	v58, _, _ =	vpop (xrf2)  }
0x17e: {  	v15 =	vbroadcast v59, $0xF;
	(xrf2) =	vadd.scan.msk.f32 $0xffff, v3;
	v3, _, _ =	vpop (xrf0)  }
0x17f: {  	(v2sf) =	vpush v58, $0xF;
	v60, _, _ =	vpop (xrf2)  }
0x180: {  	vm1 =	veq.f32 v37, v15;
	v3 =	vbroadcast v3, $0xF;
	(v2sf) =	vpush v60, $0xF  }
0x181: {  	s31 =	spop (v2sf);
	v61 =	vnsel vm1, $0x80000010, v1  }
0x182: {  	s26 =	smax.f32 s31, $9.999999930e-09;
	s0 =	spop (v2sf);
	(xrf0) =	vmin.scan.msk.u32 $0xffff, v61;
	vm1 =	veq.f32 v42, v3  }
0x183: {  	v62 =	vmov s26;
	s28 =	smax.f32 s0, $9.999999930e-09;
	v63 =	vnsel vm1, $0x80000010, v1  }
0x184: {  	(erf) = vrcp.f32 v62;
	v45 =	vmov s28;
	(xrf0) =	vmin.scan.msk.u32 $0xffff, v63  }
0x185: {  	(erf) = vrcp.f32 v45  }
0x186: {  	s29 =	spop (v2sf)  }
0x187: {  	s26 =	sxor.u32 $0x80000000, s29  }
0x188: {  	vm1 =	vmmov vm8;
	v48, _, _ =	vpop (xrf0);
	v46 =	vmov s26  }
0x189: {  	vm1 =	vmmov vm1;
	v47, _, _ =	vpop (xrf2);
	vm12 =	veq.s32 v46, v0  }
0x18a: {  	v50 =	vsub.f32 v35, v44;
	(v2sf) =	vpush v48, $0xF;
	v49, _, _ =	vpop (xrf0);
	s30 =	spop (v2sf);
	vm1 =	vmor vm1, vm12  }
0x18b: {  	v36 =	vbroadcast v47, $0xF;
	(v2sf) =	vpush v49, $0xF;
	s26 =	sxor.u32 $0x80000000, s30;
	v17 =	vnsel vm1, $0x0, v17  }
0x18c: {  	v51 =	vmov s26;
	(xrf2) =	vadd.scan.msk.f32 $0xffff, v17  }
0x18d: {  	v37 =	vpop (erf);
	v36 =	vmul.f32 v36, v40;
	vm11 =	veq.s32 v51, v0;
	(xrf2) =	vadd.scan.msk.f32 $0xffff, v50  }
0x18e: {  	v52 =	vpop (erf);
	s31 =	spop (v2sf);
	v53 =	vsel vm11, $0xF149F2CA, v43  }
0x18f: {  	v36 =	vmul.f32 v52, v36;
	s26 =	smax.f32 s31, $9.999999930e-09;
	(xrf0) =	vmax.scan.msk.f32 $0xffff, v53;
	s0 =	spop (v2sf)  }
0x190: {  	v54 =	vmov s26;
	s29 =	smax.f32 s0, $9.999999930e-09  }
0x191: {  	v43 =	vadd.f32 v36, v38;
	(erf) = vrcp.f32 v54;
	v55 =	vmov s29  }
0x192: {  	(erf) = vrcp.f32 v55  }
0x193: {  	(xrf0) =	vmax.scan.msk.f32 $0xffff, v43;
	_ =	sdelay $0x1  }
0x194: {  	v57, _, _ =	vpop (xrf0)  }
0x195: {  	v56, _, _ =	vpop (xrf2)  }
0x196: {  	v58, _, _ =	vpop (xrf2)  }
0x197: {  	v38 =	vbroadcast v57, $0xF;
	v59 =	vbroadcast v58, $0xF  }
0x198: {  	v60, _, _ =	vpop (xrf0);
	s30 =	spop (v2sf)  }
0x199: {  	v36 =	vbroadcast v60, $0xF;
	vm1 =	veq.f32 v53, v38;
	v39 =	vpop (erf);
	s31 =	spop (v2sf);
	v61 =	vmul.f32 v59, v41  }
0x19a: {  	v62 =	vnsel vm1, $0x80000010, v1;
	s28 =	sxor.u32 $0x80000000, s31;
	v63 =	vpop (erf)  }
0x19b: {  	vm1 =	veq.f32 v43, v36;
	v48 =	vmov s28;
	v40 =	vmul.f32 v63, v61  }
0x19c: {  	(xrf0) =	vmin.scan.msk.u32 $0xffff, v62;
	v49 =	vnsel vm1, $0x80000010, v1;
	vm13 =	veq.s32 v48, v0  }
0x19d: {  	(xrf0) =	vmin.scan.msk.u32 $0xffff, v49;
	v42 =	vsel vm13, $0xF149F2CA, v42;
	v44 =	vadd.f32 v40, v44  }
0x19e: {  	(xrf0) =	vmax.scan.msk.f32 $0xffff, v42  }
0x19f: {  	s26 =	sxor.u32 $0x80000000, s30;
	(xrf0) =	vmax.scan.msk.f32 $0xffff, v44  }
0x1a0: {  	v50 =	vmov s26;
	vm1 =	vmmov vm10  }
0x1a1: {  	vm14 =	veq.s32 v50, v0;
	vm1 =	vmmov vm1  }
0x1a2: {  	vm1 =	vmor vm1, vm14;
	v51, _, _ =	vpop (xrf0)  }
0x1a3: {  	(v2sf) =	vpush v56, $0xF;
	v40 =	vnsel vm1, $0x0, v24;
	v52, _, _ =	vpop (xrf0)  }
0x1a4: {  	(xrf2) =	vadd.scan.msk.f32 $0xffff, v40;
	(v2sf) =	vpush v51, $0xF;
	v53, _, _ =	vpop (xrf0)  }
0x1a5: {  	(v2sf) =	vpush v52, $0xF;
	v41 =	vbroadcast v53, $0xF;
	v54, _, _ =	vpop (xrf0)  }
0x1a6: {  	v24 =	vbroadcast v54, $0xF  }
0x1a7: {  	vm1 =	veq.f32 v42, v41  }
0x1a8: {  	v42 =	vnsel vm1, $0x80000010, v1;
	vm1 =	veq.f32 v44, v24  }
0x1a9: {  	(xrf0) =	vmin.scan.msk.u32 $0xffff, v42;
	v55 =	vnsel vm1, $0x80000010, v1  }
0x1aa: {  	(xrf0) =	vmin.scan.msk.u32 $0xffff, v55;
	_ =	sdelay $0x3  }
0x1ab: {  	v56, _, _ =	vpop (xrf2)  }
0x1ac: {  	(v2sf) =	vpush v56, $0xF;
	v57, _, _ =	vpop (xrf0)  }
0x1ad: {  	(v2sf) =	vpush v57, $0xF;
	v58, _, _ =	vpop (xrf0)  }
0x1ae: {  	(v2sf) =	vpush v58, $0xF  }
0x1af: {  	s28 =	spop (v2sf)  }
0x1b0: {  	s0 =	spop (v2sf)  }
0x1b1: {  	s31 =	spop (v2sf)  }
0x1b2: {  	s26 =	sxor.u32 $0x80000000, s31  }
0x1b3: {  	v59 =	vmov s26  }
0x1b4: {  	vm15 =	veq.s32 v59, v0  }
0x1b5: {  	v43 =	vsel vm15, $0xF149F2CA, v43  }
0x1b6: {  	(xrf0) =	vmax.scan.msk.f32 $0xffff, v43;
	_ =	sdelay $0x4  }
0x1b7: {  	s26 =	spop (v2sf)  }
0x1b8: {  	v60, _, _ =	vpop (xrf0);
	s30 =	spop (v2sf)  }
0x1b9: {  	v42 =	vbroadcast v60, $0xF;
	s31 =	spop (v2sf)  }
0x1ba: {  	s31 =	sxor.u32 $0x80000000, s31  }
0x1bb: {  	vm1 =	veq.f32 v43, v42;
	v61 =	vmov s31  }
0x1bc: {  	v62 =	vnsel vm1, $0x80000010, v1;
	vm5 =	veq.s32 v61, v0  }
0x1bd: {  	s29 =	sxor.u32 $0x80000000, s0;
	(xrf0) =	vmin.scan.msk.u32 $0xffff, v62;
	v43 =	vsel vm5, $0xF149F2CA, v44  }
0x1be: {  	v63 =	vmov s29;
	vm1 =	vmmov vm11;
	(xrf0) =	vmax.scan.msk.f32 $0xffff, v43  }
0x1bf: {  	vm6 =	veq.s32 v63, v0;
	vm1 =	vmmov vm1;
	s0 =	sxor.u32 $0x80000000, s30  }
0x1c0: {  	vm2 =	vmmov vm13;
	vm1 =	vmor vm1, vm6;
	v48 =	vmov s0  }
0x1c1: {  	v27 =	vnsel vm1, $0x0, v27;
	vm1 =	vmmov vm2;
	vm7 =	veq.s32 v48, v0  }
0x1c2: {  	(xrf2) =	vadd.scan.msk.f32 $0xffff, v27;
	vm1 =	vmor vm1, vm7  }
0x1c3: {  	v31 =	vnsel vm1, $0x0, v31;
	v49, _, _ =	vpop (xrf0)  }
0x1c4: {  	(xrf2) =	vadd.scan.msk.f32 $0xffff, v31;
	v50, _, _ =	vpop (xrf0)  }
0x1c5: {  	v45 =	vbroadcast v50, $0xF;
	_ =	sdelay $0x1  }
0x1c6: {  	vm1 =	veq.f32 v43, v45  }
0x1c7: {  	v43 =	vnsel vm1, $0x80000010, v1  }
0x1c8: {  	(xrf0) =	vmin.scan.msk.u32 $0xffff, v43;
	_ =	sdelay $0x2  }
0x1c9: {  	v51, _, _ =	vpop (xrf2)  }
0x1ca: {  	(v2sf) =	vpush v51, $0xF  }
0x1cb: {  	(v2sf) =	vpush v49, $0xF;
	v52, _, _ =	vpop (xrf2)  }
0x1cc: {  	(v2sf) =	vpush v52, $0xF;
	v53, _, _ =	vpop (xrf0)  }
0x1cd: {  	(v2sf) =	vpush v53, $0xF;
	_ =	sdelay $0xb  }
0x1ce: {  	s29 =	spop (v2sf)  }
0x1cf: {  	s30 =	spop (v2sf)  }
0x1d0: {  	s31 =	spop (v2sf)  }
0x1d1: {  	vm1 =	vmmov vm15;
	s30 =	sxor.u32 $0x80000000, s30;
	s0 =	spop (v2sf)  }
0x1d2: {  	vm2 =	vmmov vm1;
	v54 =	vmov s30;
	s0 =	sxor.u32 $0x80000000, s0  }
0x1d3: {  	vm1 =	vmmov vm5;
	vm3 =	veq.s32 v54, v0;
	v55 =	vmov s0  }
0x1d4: {  	vm1 =	vmmov vm1;
	vm2 =	vmor vm2, vm3;
	vm4 =	veq.s32 v55, v0  }
0x1d5: {  	v34 =	vnsel vm2, $0x0, v34;
	vm1 =	vmor vm1, vm4  }
0x1d6: {  	(xrf2) =	vadd.scan.msk.f32 $0xffff, v34;
	v35 =	vnsel vm1, $0x0, v35  }
0x1d7: {  	(xrf2) =	vadd.scan.msk.f32 $0xffff, v35  }
0x1d8: {  	v58 =	vld [tilespmem:$0x1FF90]  }
0x1d9: {  	v59 =	vld [tilespmem:$0x1FFA0]  }
0x1da: {  	v60 =	vld [tilespmem:$0x1FFB0];
	_ =	sdelay $0x2  }
0x1db: {  	vm1 =	vnez.u8 v58  }
0x1dc: {  	v10 =	vnsel vm1, $0x0, v10;
	vm1 =	vnez.u8 v59  }
0x1dd: {  	v6 =	vnsel vm1, $0x0, v6;
	vm1 =	vnez.u8 v60  }
0x1de: {  	v62 =	vld [tilespmem:$0x1FFC0];
	v56, _, _ =	vpop (xrf2);
	v10 =	vadd.f32 v10, v11;
	v11 =	vnsel vm1, $0x0, v18  }
0x1df: {  	(v2sf) =	vpush v56, $0xF;
	v9 =	vadd.f32 v11, v9;
	v11 =	vld [tilespmem:$0x1FFD0];
	v57, _, _ =	vpop (xrf2)  }
0x1e0: {  	(v2sf) =	vpush v57, $0xF;
	_ =	sdelay $0x2  }
0x1e1: {  	v5 =	vmul.f32 v19, v5;
	vm1 =	vnez.u8 v62  }
0x1e2: {  	v18 =	vld [tilespmem:$0x1FFE0];
	v7 =	vnsel vm1, $0x0, v7;
	vm1 =	vnez.u8 v11  }
0x1e3: {  	[tilespmem:s13+$0x8080] =	vst v5;
	v5 =	vnsel vm1, $0x0, v20;
	v20 =	vld [tilespmem:$0x1FFF0]  }
0x1e4: {  	v61 =	vmul.f32 v22, v8  }
0x1e5: {  	s13 =	smax.f32 s28, $9.999999930e-09;
	[tilespmem:s15+$0x4080] =	vst v10  }
0x1e6: {  	v16 =	vmul.f32 v26, v16;
	v63 =	vmov s13;
	[tilespmem:s14+$0x8080] =	vst v61;
	s14 =	smax.f32 s26, $9.999999930e-09  }
0x1e7: {  	(erf) = vrcp.f32 v63;
	v19 =	vmov s14;
	vm1 =	vnez.u8 v18  }
0x1e8: {  	[tilespmem:s16+$0x4080] =	vst v9;
	v8 =	vnsel vm1, $0x0, v21;
	v5 =	vadd.f32 v5, v6;
	vm1 =	vnez.u8 v20  }
0x1e9: {  	s26 =	smax.f32 s29, $9.999999930e-09;
	[tilespmem:s15+$0x8080] =	vst v16;
	(erf) = vrcp.f32 v19;
	v21 =	vmul.f32 v30, v14;
	v9 =	vnsel vm1, $0x0, v23  }
0x1ea: {  	v22 =	vnsel vm8, $0x0, v25;
	v25 =	vmov s26;
	[tilespmem:s17+$0x4080] =	vst v5;
	v23 =	vadd.f32 v9, v7  }
0x1eb: {  	v26 =	vnsel vm9, $0x0, v28;
	v28 =	vmul.f32 v33, v13;
	s28 =	smax.f32 s31, $9.999999930e-09;
	(erf) = vrcp.f32 v25;
	[tilespmem:s16+$0x8080] =	vst v21  }
0x1ec: {  	v46 =	vmul.f32 v37, v12;
	v43 =	vmov s28;
	v33 =	vadd.f32 v26, v8;
	s29 =	spop (v2sf);
	[tilespmem:s18+$0x4080] =	vst v23  }
0x1ed: {  	v2 =	vmul.f32 v39, v2;
	v44 =	vnsel vm12, $0x0, v32;
	(erf) = vrcp.f32 v43;
	s0 =	smax.f32 s29, $9.999999930e-09;
	[tilespmem:s17+$0x8080] =	vst v28;
	s30 =	spop (v2sf)  }
0x1ee: {  	v47 =	vnsel vm14, $0x0, v15;
	v48 =	vadd.f32 v44, v22;
	v49 =	vmov s0;
	[tilespmem:s19+$0x4080] =	vst v33;
	s31 =	smax.f32 s30, $9.999999930e-09  }
0x1ef: {  	v30 =	vnsel vm10, $0x0, v29;
	(erf) = vrcp.f32 v49;
	[tilespmem:s18+$0x8080] =	vst v46;
	v50 =	vmov s31  }
0x1f0: {  	v52 =	vpop (erf);
	v51 =	vadd.f32 v47, v30;
	[tilespmem:s20+$0x4080] =	vst v48;
	(erf) = vrcp.f32 v50  }
0x1f1: {  	v4 =	vnsel vm11, $0x0, v4;
	v53 =	vnsel vm6, $0x0, v38;
	[tilespmem:s19+$0x8080] =	vst v2;
	v2 =	vmul.f32 v52, v17  }
0x1f2: {  	v4 =	vadd.f32 v53, v4;
	v54 =	vpop (erf);
	[tilespmem:s21+$0x4080] =	vst v51  }
0x1f3: {  	v3 =	vnsel vm13, $0x0, v3;
	v55 =	vnsel vm7, $0x0, v41;
	[tilespmem:s20+$0x8080] =	vst v2;
	v2 =	vmul.f32 v54, v40  }
0x1f4: {  	v3 =	vadd.f32 v55, v3;
	v56 =	vpop (erf);
	[tilespmem:s22+$0x4080] =	vst v4  }
0x1f5: {  	v58 =	vnsel vm3, $0x0, v42;
	v57 =	vnsel vm15, $0x0, v36;
	[tilespmem:s21+$0x8080] =	vst v2;
	v2 =	vmul.f32 v56, v27  }
0x1f6: {  	v59 =	vpop (erf);
	[tilespmem:s23+$0x4080] =	vst v3;
	v3 =	vadd.f32 v58, v57  }
0x1f7: {  	v60 =	vnsel vm5, $0x0, v24;
	v61 =	vnsel vm4, $0x0, v45;
	[tilespmem:s22+$0x8080] =	vst v2;
	v2 =	vmul.f32 v59, v31  }
0x1f8: {  	v62 =	vpop (erf);
	[tilespmem:s24+$0x4080] =	vst v3;
	v3 =	vadd.f32 v61, v60  }
0x1f9: {  	[tilespmem:s23+$0x8080] =	vst v2;
	v2 =	vmul.f32 v62, v34;
	v63 =	vpop (erf)  }
0x1fa: {  	[tilespmem:s25+$0x4080] =	vst v3;
	v3 =	vmul.f32 v63, v35  }
0x1fb: {  	[tilespmem:s24+$0x8080] =	vst v2  }
0x1fc: {  	[tilespmem:s25+$0x8080] =	vst v3  }
0x1fd: {  	[hbm4b:s5+s2] =	stream.linear.scatter [tilespmem:s10], [sflag:$0x1], $0x4000, $0x38;
	[tilespmem:$0xC080] =	vst v63  }
0x1fe: {  	s12 =	sadd.s32 $0x1, s12;
	_ =	swait.ge [sflag:s8], $0x4000  }
0x1ff: {  	p0 =	sne.s32 s12, s7;
	[sflag:s8] =	ssyncset.done $0x0  }
.Ltmp1:
0x200: {  	[sflag:s8] =	ssyncadd.s32 $0xFFFFC000;
	(pc) =	sbr.rel @p0 .LBB2_1-.Ltmp1, $4  }
0x201: {  	[hbm4b:s6+s2] =	stream.linear.scatter [tilespmem:s11], [sflag:$0x1], $0x4000, $0x38;
	[tilespmem:$0xC080] =	vst v63  }
0x202: {  	_ =	swait.ge [sflag:s8], $0x4000  }
0x203: {  	[sflag:s8] =	ssyncset.done $0x0  }
0x204: {  	[sflag:s8] =	ssyncadd.s32 $0xFFFFC000  }
0x205: {  	_ =	sfence.sel $0x180000  }
0x206: {  	[bflag:$0x0] =	sbarrier.arrive $0xFFFF  }
0x207: {  	_ =	strace $0x90000047  }
0x208: {  	[bflag:$0x2] =	sbarrier.arrive $0xFFFF  }
0x209: {  	p0 =	sne.s32 s1, $0x0;
	s0 =	rddreg [dreg:$0x2]  }
0x20a: {  	s0 =	sadd.s32 @!p0 $0x100000, s0  }
0x20b: {  	[sflag:s0] =	ssyncadd.tile.s32 @!p0 $0x1;
	_ =	shalt  }
.Lfunc_end2:
_tile_overlayer_lowered:
.L_overlay_start_2:
0x20c: {  	(tag) =	ssettag $0x2  }
0x20d: {  	s0 =	rddreg [dreg:$0x0];
	s2 =	stileid.u32  }
0x20e: {  	s1 =	rddreg [dreg:$0x1];
	p0 =	sne.s32 s2, $0x0  }
0x20f: {  	s3 =	rddreg [dreg:$0x2];
	[bflag:$0x3] =	sbarrier.arrive $0xFFFF;
	s2 =	simm.s32 @!p0 $0x1C01  }
0x210: {  	[timem:s3], [sflag:s2] =	dma.local @!p0 [hbm:s0], s1  }
0x211: {  	s0 =	simm.s32 @!p0 $0x1  }
0x212: {  	_ =	swait.ge @!p0 [sflag:s0], s1  }
0x213: {  	s1 =	ssub.s32 @!p0 $0x0, s1;
	[sflag:s0] =	ssyncset.done @!p0 $0x0  }
0x214: {  	[sflag:s0] =	ssyncadd.s32 @!p0 s1  }
0x215: {  	[bflag:$0x3] =	sbarrier.arrive $0xFFFF  }
0x216: {  	_ =	shalt  }

</sc_bundles>
